<compile_context>
chip_gen: v7x
topology: tpu7x:2x2x1
jax: 0.10.2.dev20260603
libtpu: 0.0.44.dev20260713+nightly
codegen_flags: <defaults>
</compile_context>

<pallas_src>
import jax
import jax.numpy as jnp
from jax.experimental import pallas as pl
from jax.experimental.pallas import tpu as pltpu
from jax.experimental.pallas import tpu_sc as plsc

_N_LAT, _N_LON, _N_MESH, _N_NEI = 64, 128, 128, 4
_IN_DIM, _HID, _OUT_CH = 256, 256, 78
_BATCH = 32
_N_GRID = _N_LAT * _N_LON
_MBB = 8
_N_WORKERS = 32
_ROWS_PER_W = _N_GRID // _N_WORKERS


def _sc_build_a(idx_hbm, wts_hbm, z_hbm, a_hbm, ibuf, wbuf, abuf):
    c = jax.lax.axis_index("c")
    s = jax.lax.axis_index("s")
    wid = s * 2 + c
    base = wid * _ROWS_PER_W
    pltpu.sync_copy(z_hbm, abuf)
    pltpu.sync_copy(idx_hbm.at[:, pl.ds(base, _ROWS_PER_W)], ibuf)
    pltpu.sync_copy(wts_hbm.at[:, pl.ds(base, _ROWS_PER_W)], wbuf)
    lbase = jax.lax.iota(jnp.int32, 16) * _N_MESH
    for k in range(_N_NEI):
        for j in range(_ROWS_PER_W // 16):
            cols = ibuf[k, pl.ds(j * 16, 16)]
            vals = wbuf[k, pl.ds(j * 16, 16)]
            addr = j * (16 * _N_MESH) + lbase + cols
            plsc.store_scatter(abuf, [addr], vals)
    pltpu.sync_copy(abuf, a_hbm.at[wid])


def _mlp_body(nf_ref, w1_ref, b1_ref, w2_ref, b2_ref, out_ref):
    x = nf_ref[...].reshape(_MBB * _N_MESH, _IN_DIM)
    h = jnp.dot(x, w1_ref[...], preferred_element_type=jnp.float32)
    h = jnp.maximum(h + b1_ref[...], 0.0)
    o = jnp.dot(h, w2_ref[...], preferred_element_type=jnp.float32)
    o = o + b2_ref[...]
    out_ref[...] = o.reshape(_MBB, _N_MESH, _OUT_CH).astype(jnp.bfloat16)


def _interp_body(a_ref, mesh_ref, out_ref, a_s):
    s = pl.program_id(0)

    @pl.when(s == 0)
    def _cast():
        a_s[...] = a_ref[...].astype(jnp.bfloat16)

    r = jax.lax.dot_general(
        a_s[...], mesh_ref[0],
        (((1,), (0,)), ((), ())),
        preferred_element_type=jnp.float32)
    out_ref[...] = r.reshape(1, _N_LAT, _N_LON, _OUT_CH)


def kernel(node_features, W1, b1, W2, b2, neighbor_indices, neighbor_weights):
    idx_t = neighbor_indices.T
    wts_t = neighbor_weights.T
    zblock = jnp.zeros((_ROWS_PER_W * _N_MESH,), jnp.float32)

    build = pl.kernel(
        _sc_build_a,
        out_type=jax.ShapeDtypeStruct((_N_WORKERS, _ROWS_PER_W * _N_MESH),
                                      jnp.float32),
        mesh=plsc.VectorSubcoreMesh(core_axis_name="c", subcore_axis_name="s"),
        scratch_types=[
            pltpu.VMEM((_N_NEI, _ROWS_PER_W), jnp.int32),
            pltpu.VMEM((_N_NEI, _ROWS_PER_W), jnp.float32),
            pltpu.VMEM((_ROWS_PER_W * _N_MESH,), jnp.float32),
        ],
        compiler_params=pltpu.CompilerParams(needs_layout_passes=False),
    )
    a_mat = build(idx_t, wts_t, zblock).reshape(_N_GRID, _N_MESH)

    mesh = pl.pallas_call(
        _mlp_body,
        grid=(_BATCH // _MBB,),
        in_specs=[
            pl.BlockSpec((_MBB, _N_MESH, _IN_DIM), lambda i: (i, 0, 0)),
            pl.BlockSpec((_IN_DIM, _HID), lambda i: (0, 0)),
            pl.BlockSpec((1, _HID), lambda i: (0, 0)),
            pl.BlockSpec((_HID, _OUT_CH), lambda i: (0, 0)),
            pl.BlockSpec((1, _OUT_CH), lambda i: (0, 0)),
        ],
        out_specs=pl.BlockSpec((_MBB, _N_MESH, _OUT_CH), lambda i: (i, 0, 0)),
        out_shape=jax.ShapeDtypeStruct((_BATCH, _N_MESH, _OUT_CH),
                                       jnp.bfloat16),
        compiler_params=pltpu.CompilerParams(
            dimension_semantics=("parallel",)),
    )(node_features, W1, b1.reshape(1, _HID), W2, b2.reshape(1, _OUT_CH))

    out = pl.pallas_call(
        _interp_body,
        grid=(_BATCH,),
        in_specs=[
            pl.BlockSpec((_N_GRID, _N_MESH), lambda b: (0, 0)),
            pl.BlockSpec((1, _N_MESH, _OUT_CH), lambda b: (b, 0, 0)),
        ],
        out_specs=pl.BlockSpec((1, _N_LAT, _N_LON, _OUT_CH),
                               lambda b: (b, 0, 0, 0)),
        out_shape=jax.ShapeDtypeStruct((_BATCH, _N_LAT, _N_LON, _OUT_CH),
                                       jnp.float32),
        scratch_shapes=[pltpu.VMEM((_N_GRID, _N_MESH), jnp.bfloat16)],
        compiler_params=pltpu.CompilerParams(
            dimension_semantics=("arbitrary",)),
    )(a_mat, mesh)

    return out

# --- scband reference (transcript-rebuilt; emitter-appended) ---
"""Pipeline reference for scband-mesh-to-grid-decoder-69621419868949 (READ-ONLY COPY).

The authoritative reference and input builder live on the scoring server;
editing this copy changes nothing except your own understanding.
"""

import jax, jax.numpy as jnp
import numpy as np

N_LAT, N_LON, N_MESH, N_NEI = 64, 128, 128, 4
IN_DIM, HID, OUT_CH = 256, 256, 78
BATCH = 32

def _coords():
    grid_lat = np.arange(N_LAT) / 32.0 - 1.0
    grid_lon = np.arange(N_LON) / 32.0 - 2.0
    mesh_lat = np.repeat(np.arange(8) * 0.25 - 0.890625, 16)
    mesh_lon = np.tile(np.arange(16) * 0.25 - 1.890625, 8)
    return grid_lat, grid_lon, mesh_lat, mesh_lon

def _precompute():
    grid_lat, grid_lon, mesh_lat, mesh_lon = _coords()
    n_grid = N_LAT * N_LON
    lat_g, lon_g = np.meshgrid(grid_lat, grid_lon, indexing='ij')
    lat_g = lat_g.flatten()
    lon_g = lon_g.flatten()
    idx = np.zeros((n_grid, N_NEI), dtype=np.int64)
    wts = np.zeros((n_grid, N_NEI), dtype=np.float32)
    for i in range(n_grid):
        g_lat = lat_g[i]
        g_lon = lon_g[i]
        dlat = mesh_lat - g_lat
        dlon = mesh_lon - g_lon
        dlon = np.where(dlon > np.pi, dlon - 2 * np.pi, dlon)
        dlon = np.where(dlon < -np.pi, dlon + 2 * np.pi, dlon)
        dlon = dlon * np.cos(g_lat)
        dist = np.sqrt(dlat ** 2 + dlon ** 2)
        ni = np.argsort(dist)[:N_NEI]
        nd = np.maximum(dist[ni], 1e-06)
        w = 1.0 / nd
        w = w / w.sum()
        idx[i] = ni
        wts[i] = w
    return idx, wts

def setup_inputs(seed: int = 0):
    key = jax.random.key(seed)
    k1, k2, k3 = jax.random.split(key, 3)
    node_features = jax.random.normal(k1, (BATCH, N_MESH, IN_DIM), dtype=jnp.float32)
    W1 = jax.random.normal(k2, (IN_DIM, HID), dtype=jnp.float32) * 0.02
    b1 = jnp.zeros((HID,), dtype=jnp.float32)
    W2 = jax.random.normal(k3, (HID, OUT_CH), dtype=jnp.float32) * 0.02
    b2 = jnp.zeros((OUT_CH,), dtype=jnp.float32)
    idx, wts = _precompute()
    return {'node_features': node_features, 'W1': W1, 'b1': b1, 'W2': W2, 'b2': b2, 'neighbor_indices': jnp.asarray(idx), 'neighbor_weights': jnp.asarray(wts)}

def reference(node_features, W1, b1, W2, b2, neighbor_indices, neighbor_weights):
    h = jnp.maximum(node_features @ W1 + b1, 0.0)
    mesh_out = h @ W2 + b2
    nv = jnp.take(mesh_out, neighbor_indices, axis=1)
    w = neighbor_weights[None, :, :, None]
    grid_out = (nv * w).sum(axis=2)
    return grid_out.reshape(node_features.shape[0], N_LAT, N_LON, OUT_CH)

if __name__ == "__main__":
    import jax
    _d = setup_inputs()
    print(jax.jit(kernel)(*tuple(_d.values())))

</pallas_src>

<mosaic_0001>
#map = affine_map<(d0, d1) -> (0, 0)>
#map1 = affine_map<(d0, d1) -> (0)>
module attributes {stable_mosaic.version = 14 : i64} {
  func.func @_sc_build_a(%arg0: i32, %arg1: i32, %arg2: memref<4x8192xi32, #tpu.memory_space<hbm>>, %arg3: memref<4x8192xf32, #tpu.memory_space<hbm>>, %arg4: memref<32768xf32, #tpu.memory_space<hbm>>, %arg5: memref<32x32768xf32, #tpu.memory_space<hbm>>, %arg6: memref<4x256xi32, #tpu.memory_space<vmem>>, %arg7: memref<4x256xf32, #tpu.memory_space<vmem>>, %arg8: memref<32768xf32, #tpu.memory_space<vmem>>) attributes {dimension_semantics = [#tpu.dimension_semantics<core_parallel>, #tpu.dimension_semantics<subcore_parallel>], iteration_bounds = array<i64: 2, 16>, scalar_prefetch = 0 : i64, scratch_operands = 3 : i64, tpu.core_type = #tpu.core_type<sc_vector_subcore>, window_params = [{transform_indices = #map}, {transform_indices = #map}, {transform_indices = #map1}, {transform_indices = #map}]} {
    %mul3A = arith.constant 2 : i32
    %mul3A_0 = arith.muli %arg1, %mul3A : i32
    %add3A = arith.addi %mul3A_0, %arg0 : i32
    %mul3A_1 = arith.constant 256 : i32
    %mul3A_2 = arith.muli %add3A, %mul3A_1 : i32
    "tpu.region"() ({
      %run_scoped3A = tpu.sem_alloc : memref<!tpu.dma_semaphore, #tpu.memory_space<semaphore_mem>>
      tpu.enqueue_dma source(%arg4 : memref<32768xf32, #tpu.memory_space<hbm>>) target(%arg8 : memref<32768xf32, #tpu.memory_space<vmem>>) target_semaphore(%run_scoped3A : memref<!tpu.dma_semaphore, #tpu.memory_space<semaphore_mem>>)
      tpu.wait_dma2 semaphore(%run_scoped3A : memref<!tpu.dma_semaphore, #tpu.memory_space<semaphore_mem>>) src(%arg4 : memref<32768xf32, #tpu.memory_space<hbm>>) dst(%arg8 : memref<32768xf32, #tpu.memory_space<vmem>>)
      tpu.yield
    }) : () -> ()
    "tpu.region"() ({
      %run_scoped3A = tpu.sem_alloc : memref<!tpu.dma_semaphore, #tpu.memory_space<semaphore_mem>>
      %dma_start3A = arith.constant 0 : i32
      %dma_start3A_773 = tpu.memref_slice %arg2[%dma_start3A, %mul3A_2] : memref<4x8192xi32, #tpu.memory_space<hbm>> -> memref<4x256xi32, #tpu.memory_space<hbm>>
      %dma_start3A_774 = arith.constant 0 : i32
      %dma_start3A_775 = tpu.memref_slice %arg2[%dma_start3A_774, %mul3A_2] : memref<4x8192xi32, #tpu.memory_space<hbm>> -> memref<4x256xi32, #tpu.memory_space<hbm>>
      tpu.enqueue_dma source(%dma_start3A_775 : memref<4x256xi32, #tpu.memory_space<hbm>>) target(%arg6 : memref<4x256xi32, #tpu.memory_space<vmem>>) target_semaphore(%run_scoped3A : memref<!tpu.dma_semaphore, #tpu.memory_space<semaphore_mem>>)
      %dma_wait3A = arith.constant 0 : i32
      %dma_wait3A_776 = tpu.memref_slice %arg2[%dma_wait3A, %mul3A_2] : memref<4x8192xi32, #tpu.memory_space<hbm>> -> memref<4x256xi32, #tpu.memory_space<hbm>>
      %dma_wait3A_777 = arith.constant 0 : i32
      %dma_wait3A_778 = tpu.memref_slice %arg2[%dma_wait3A_777, %mul3A_2] : memref<4x8192xi32, #tpu.memory_space<hbm>> -> memref<4x256xi32, #tpu.memory_space<hbm>>
      tpu.wait_dma2 semaphore(%run_scoped3A : memref<!tpu.dma_semaphore, #tpu.memory_space<semaphore_mem>>) src(%dma_wait3A_778 : memref<4x256xi32, #tpu.memory_space<hbm>>) dst(%arg6 : memref<4x256xi32, #tpu.memory_space<vmem>>)
      tpu.yield
    }) : () -> ()
    "tpu.region"() ({
      %run_scoped3A = tpu.sem_alloc : memref<!tpu.dma_semaphore, #tpu.memory_space<semaphore_mem>>
      %dma_start3A = arith.constant 0 : i32
      %dma_start3A_773 = tpu.memref_slice %arg3[%dma_start3A, %mul3A_2] : memref<4x8192xf32, #tpu.memory_space<hbm>> -> memref<4x256xf32, #tpu.memory_space<hbm>>
      %dma_start3A_774 = arith.constant 0 : i32
      %dma_start3A_775 = tpu.memref_slice %arg3[%dma_start3A_774, %mul3A_2] : memref<4x8192xf32, #tpu.memory_space<hbm>> -> memref<4x256xf32, #tpu.memory_space<hbm>>
      tpu.enqueue_dma source(%dma_start3A_775 : memref<4x256xf32, #tpu.memory_space<hbm>>) target(%arg7 : memref<4x256xf32, #tpu.memory_space<vmem>>) target_semaphore(%run_scoped3A : memref<!tpu.dma_semaphore, #tpu.memory_space<semaphore_mem>>)
      %dma_wait3A = arith.constant 0 : i32
      %dma_wait3A_776 = tpu.memref_slice %arg3[%dma_wait3A, %mul3A_2] : memref<4x8192xf32, #tpu.memory_space<hbm>> -> memref<4x256xf32, #tpu.memory_space<hbm>>
      %dma_wait3A_777 = arith.constant 0 : i32
      %dma_wait3A_778 = tpu.memref_slice %arg3[%dma_wait3A_777, %mul3A_2] : memref<4x8192xf32, #tpu.memory_space<hbm>> -> memref<4x256xf32, #tpu.memory_space<hbm>>
      tpu.wait_dma2 semaphore(%run_scoped3A : memref<!tpu.dma_semaphore, #tpu.memory_space<semaphore_mem>>) src(%dma_wait3A_778 : memref<4x256xf32, #tpu.memory_space<hbm>>) dst(%arg7 : memref<4x256xf32, #tpu.memory_space<vmem>>)
      tpu.yield
    }) : () -> ()
    %iota3A = tpu.iota {dimensions = array<i32: 0>} : vector<16xi32>
    %mul3A_3 = arith.constant 128 : i32
    %mul3A_4 = vector.broadcast %mul3A_3 : i32 to vector<16xi32>
    %mul3A_5 = arith.muli %iota3A, %mul3A_4 : vector<16xi32>
    %get3A = arith.constant 0 : i32
    %get3A_6 = arith.index_cast %get3A : i32 to index
    %get3A_7 = arith.constant 0 : index
    %get3A_8 = tpu.vector_load %arg6[%get3A_6, %get3A_7] {strides = array<i32>} : memref<4x256xi32, #tpu.memory_space<vmem>>, vector<16xi32>,
    %get3A_9 = arith.constant 0 : i32
    %get3A_10 = arith.index_cast %get3A_9 : i32 to index
    %get3A_11 = arith.constant 0 : index
    %get3A_12 = tpu.vector_load %arg7[%get3A_10, %get3A_11] {strides = array<i32>} : memref<4x256xf32, #tpu.memory_space<vmem>>, vector<16xf32>,
    %add3A_13 = arith.constant 0 : i32
    %add3A_14 = vector.broadcast %add3A_13 : i32 to vector<16xi32>
    %add3A_15 = arith.addi %add3A_14, %mul3A_5 : vector<16xi32>
    %add3A_16 = arith.addi %add3A_15, %get3A_8 : vector<16xi32>
    tpu.vector_store_idx %arg8[%add3A_16], %get3A_12 : memref<32768xf32, #tpu.memory_space<vmem>>[vector<16xi32>], vector<16xf32>,
    %get3A_17 = arith.constant 0 : i32
    %get3A_18 = arith.index_cast %get3A_17 : i32 to index
    %get3A_19 = arith.constant 16 : index
    %get3A_20 = tpu.vector_load %arg6[%get3A_18, %get3A_19] {strides = array<i32>} : memref<4x256xi32, #tpu.memory_space<vmem>>, vector<16xi32>,
    %get3A_21 = arith.constant 0 : i32
    %get3A_22 = arith.index_cast %get3A_21 : i32 to index
    %get3A_23 = arith.constant 16 : index
    %get3A_24 = tpu.vector_load %arg7[%get3A_22, %get3A_23] {strides = array<i32>} : memref<4x256xf32, #tpu.memory_space<vmem>>, vector<16xf32>,
    %add3A_25 = arith.constant 2048 : i32
    %add3A_26 = vector.broadcast %add3A_25 : i32 to vector<16xi32>
    %add3A_27 = arith.addi %add3A_26, %mul3A_5 : vector<16xi32>
    %add3A_28 = arith.addi %add3A_27, %get3A_20 : vector<16xi32>
    tpu.vector_store_idx %arg8[%add3A_28], %get3A_24 : memref<32768xf32, #tpu.memory_space<vmem>>[vector<16xi32>], vector<16xf32>,
    %get3A_29 = arith.constant 0 : i32
    %get3A_30 = arith.index_cast %get3A_29 : i32 to index
    %get3A_31 = arith.constant 32 : index
    %get3A_32 = tpu.vector_load %arg6[%get3A_30, %get3A_31] {strides = array<i32>} : memref<4x256xi32, #tpu.memory_space<vmem>>, vector<16xi32>,
    %get3A_33 = arith.constant 0 : i32
    %get3A_34 = arith.index_cast %get3A_33 : i32 to index
    %get3A_35 = arith.constant 32 : index
    %get3A_36 = tpu.vector_load %arg7[%get3A_34, %get3A_35] {strides = array<i32>} : memref<4x256xf32, #tpu.memory_space<vmem>>, vector<16xf32>,
    %add3A_37 = arith.constant 4096 : i32
    %add3A_38 = vector.broadcast %add3A_37 : i32 to vector<16xi32>
    %add3A_39 = arith.addi %add3A_38, %mul3A_5 : vector<16xi32>
    %add3A_40 = arith.addi %add3A_39, %get3A_32 : vector<16xi32>
    tpu.vector_store_idx %arg8[%add3A_40], %get3A_36 : memref<32768xf32, #tpu.memory_space<vmem>>[vector<16xi32>], vector<16xf32>,
    %get3A_41 = arith.constant 0 : i32
    %get3A_42 = arith.index_cast %get3A_41 : i32 to index
    %get3A_43 = arith.constant 48 : index
    %get3A_44 = tpu.vector_load %arg6[%get3A_42, %get3A_43] {strides = array<i32>} : memref<4x256xi32, #tpu.memory_space<vmem>>, vector<16xi32>,
    %get3A_45 = arith.constant 0 : i32
    %get3A_46 = arith.index_cast %get3A_45 : i32 to index
    %get3A_47 = arith.constant 48 : index
    %get3A_48 = tpu.vector_load %arg7[%get3A_46, %get3A_47] {strides = array<i32>} : memref<4x256xf32, #tpu.memory_space<vmem>>, vector<16xf32>,
    %add3A_49 = arith.constant 6144 : i32
    %add3A_50 = vector.broadcast %add3A_49 : i32 to vector<16xi32>
    %add3A_51 = arith.addi %add3A_50, %mul3A_5 : vector<16xi32>
    %add3A_52 = arith.addi %add3A_51, %get3A_44 : vector<16xi32>
    tpu.vector_store_idx %arg8[%add3A_52], %get3A_48 : memref<32768xf32, #tpu.memory_space<vmem>>[vector<16xi32>], vector<16xf32>,
    %get3A_53 = arith.constant 0 : i32
    %get3A_54 = arith.index_cast %get3A_53 : i32 to index
    %get3A_55 = arith.constant 64 : index
    %get3A_56 = tpu.vector_load %arg6[%get3A_54, %get3A_55] {strides = array<i32>} : memref<4x256xi32, #tpu.memory_space<vmem>>, vector<16xi32>,
    %get3A_57 = arith.constant 0 : i32
    %get3A_58 = arith.index_cast %get3A_57 : i32 to index
    %get3A_59 = arith.constant 64 : index
    %get3A_60 = tpu.vector_load %arg7[%get3A_58, %get3A_59] {strides = array<i32>} : memref<4x256xf32, #tpu.memory_space<vmem>>, vector<16xf32>,
    %add3A_61 = arith.constant 8192 : i32
    %add3A_62 = vector.broadcast %add3A_61 : i32 to vector<16xi32>
    %add3A_63 = arith.addi %add3A_62, %mul3A_5 : vector<16xi32>
    %add3A_64 = arith.addi %add3A_63, %get3A_56 : vector<16xi32>
    tpu.vector_store_idx %arg8[%add3A_64], %get3A_60 : memref<32768xf32, #tpu.memory_space<vmem>>[vector<16xi32>], vector<16xf32>,
    %get3A_65 = arith.constant 0 : i32
    %get3A_66 = arith.index_cast %get3A_65 : i32 to index
    %get3A_67 = arith.constant 80 : index
    %get3A_68 = tpu.vector_load %arg6[%get3A_66, %get3A_67] {strides = array<i32>} : memref<4x256xi32, #tpu.memory_space<vmem>>, vector<16xi32>,
    %get3A_69 = arith.constant 0 : i32
    %get3A_70 = arith.index_cast %get3A_69 : i32 to index
    %get3A_71 = arith.constant 80 : index
    %get3A_72 = tpu.vector_load %arg7[%get3A_70, %get3A_71] {strides = array<i32>} : memref<4x256xf32, #tpu.memory_space<vmem>>, vector<16xf32>,
    %add3A_73 = arith.constant 10240 : i32
    %add3A_74 = vector.broadcast %add3A_73 : i32 to vector<16xi32>
    %add3A_75 = arith.addi %add3A_74, %mul3A_5 : vector<16xi32>
    %add3A_76 = arith.addi %add3A_75, %get3A_68 : vector<16xi32>
    tpu.vector_store_idx %arg8[%add3A_76], %get3A_72 : memref<32768xf32, #tpu.memory_space<vmem>>[vector<16xi32>], vector<16xf32>,
    %get3A_77 = arith.constant 0 : i32
    %get3A_78 = arith.index_cast %get3A_77 : i32 to index
    %get3A_79 = arith.constant 96 : index
    %get3A_80 = tpu.vector_load %arg6[%get3A_78, %get3A_79] {strides = array<i32>} : memref<4x256xi32, #tpu.memory_space<vmem>>, vector<16xi32>,
    %get3A_81 = arith.constant 0 : i32
    %get3A_82 = arith.index_cast %get3A_81 : i32 to index
    %get3A_83 = arith.constant 96 : index
    %get3A_84 = tpu.vector_load %arg7[%get3A_82, %get3A_83] {strides = array<i32>} : memref<4x256xf32, #tpu.memory_space<vmem>>, vector<16xf32>,
    %add3A_85 = arith.constant 12288 : i32
    %add3A_86 = vector.broadcast %add3A_85 : i32 to vector<16xi32>
    %add3A_87 = arith.addi %add3A_86, %mul3A_5 : vector<16xi32>
    %add3A_88 = arith.addi %add3A_87, %get3A_80 : vector<16xi32>
    tpu.vector_store_idx %arg8[%add3A_88], %get3A_84 : memref<32768xf32, #tpu.memory_space<vmem>>[vector<16xi32>], vector<16xf32>,
    %get3A_89 = arith.constant 0 : i32
    %get3A_90 = arith.index_cast %get3A_89 : i32 to index
    %get3A_91 = arith.constant 112 : index
    %get3A_92 = tpu.vector_load %arg6[%get3A_90, %get3A_91] {strides = array<i32>} : memref<4x256xi32, #tpu.memory_space<vmem>>, vector<16xi32>,
    %get3A_93 = arith.constant 0 : i32
    %get3A_94 = arith.index_cast %get3A_93 : i32 to index
    %get3A_95 = arith.constant 112 : index
    %get3A_96 = tpu.vector_load %arg7[%get3A_94, %get3A_95] {strides = array<i32>} : memref<4x256xf32, #tpu.memory_space<vmem>>, vector<16xf32>,
    %add3A_97 = arith.constant 14336 : i32
    %add3A_98 = vector.broadcast %add3A_97 : i32 to vector<16xi32>
    %add3A_99 = arith.addi %add3A_98, %mul3A_5 : vector<16xi32>
    %add3A_100 = arith.addi %add3A_99, %get3A_92 : vector<16xi32>
    tpu.vector_store_idx %arg8[%add3A_100], %get3A_96 : memref<32768xf32, #tpu.memory_space<vmem>>[vector<16xi32>], vector<16xf32>,
    %get3A_101 = arith.constant 0 : i32
    %get3A_102 = arith.index_cast %get3A_101 : i32 to index
    %get3A_103 = arith.constant 128 : index
    %get3A_104 = tpu.vector_load %arg6[%get3A_102, %get3A_103] {strides = array<i32>} : memref<4x256xi32, #tpu.memory_space<vmem>>, vector<16xi32>,
    %get3A_105 = arith.constant 0 : i32
    %get3A_106 = arith.index_cast %get3A_105 : i32 to index
    %get3A_107 = arith.constant 128 : index
    %get3A_108 = tpu.vector_load %arg7[%get3A_106, %get3A_107] {strides = array<i32>} : memref<4x256xf32, #tpu.memory_space<vmem>>, vector<16xf32>,
    %add3A_109 = arith.constant 16384 : i32
    %add3A_110 = vector.broadcast %add3A_109 : i32 to vector<16xi32>
    %add3A_111 = arith.addi %add3A_110, %mul3A_5 : vector<16xi32>
    %add3A_112 = arith.addi %add3A_111, %get3A_104 : vector<16xi32>
    tpu.vector_store_idx %arg8[%add3A_112], %get3A_108 : memref<32768xf32, #tpu.memory_space<vmem>>[vector<16xi32>], vector<16xf32>,
    %get3A_113 = arith.constant 0 : i32
    %get3A_114 = arith.index_cast %get3A_113 : i32 to index
    %get3A_115 = arith.constant 144 : index
    %get3A_116 = tpu.vector_load %arg6[%get3A_114, %get3A_115] {strides = array<i32>} : memref<4x256xi32, #tpu.memory_space<vmem>>, vector<16xi32>,
    %get3A_117 = arith.constant 0 : i32
    %get3A_118 = arith.index_cast %get3A_117 : i32 to index
    %get3A_119 = arith.constant 144 : index
    %get3A_120 = tpu.vector_load %arg7[%get3A_118, %get3A_119] {strides = array<i32>} : memref<4x256xf32, #tpu.memory_space<vmem>>, vector<16xf32>,
    %add3A_121 = arith.constant 18432 : i32
    %add3A_122 = vector.broadcast %add3A_121 : i32 to vector<16xi32>
    %add3A_123 = arith.addi %add3A_122, %mul3A_5 : vector<16xi32>
    %add3A_124 = arith.addi %add3A_123, %get3A_116 : vector<16xi32>
    tpu.vector_store_idx %arg8[%add3A_124], %get3A_120 : memref<32768xf32, #tpu.memory_space<vmem>>[vector<16xi32>], vector<16xf32>,
    %get3A_125 = arith.constant 0 : i32
    %get3A_126 = arith.index_cast %get3A_125 : i32 to index
    %get3A_127 = arith.constant 160 : index
    %get3A_128 = tpu.vector_load %arg6[%get3A_126, %get3A_127] {strides = array<i32>} : memref<4x256xi32, #tpu.memory_space<vmem>>, vector<16xi32>,
    %get3A_129 = arith.constant 0 : i32
    %get3A_130 = arith.index_cast %get3A_129 : i32 to index
    %get3A_131 = arith.constant 160 : index
    %get3A_132 = tpu.vector_load %arg7[%get3A_130, %get3A_131] {strides = array<i32>} : memref<4x256xf32, #tpu.memory_space<vmem>>, vector<16xf32>,
    %add3A_133 = arith.constant 20480 : i32
    %add3A_134 = vector.broadcast %add3A_133 : i32 to vector<16xi32>
    %add3A_135 = arith.addi %add3A_134, %mul3A_5 : vector<16xi32>
    %add3A_136 = arith.addi %add3A_135, %get3A_128 : vector<16xi32>
    tpu.vector_store_idx %arg8[%add3A_136], %get3A_132 : memref<32768xf32, #tpu.memory_space<vmem>>[vector<16xi32>], vector<16xf32>,
    %get3A_137 = arith.constant 0 : i32
    %get3A_138 = arith.index_cast %get3A_137 : i32 to index
    %get3A_139 = arith.constant 176 : index
    %get3A_140 = tpu.vector_load %arg6[%get3A_138, %get3A_139] {strides = array<i32>} : memref<4x256xi32, #tpu.memory_space<vmem>>, vector<16xi32>,
    %get3A_141 = arith.constant 0 : i32
    %get3A_142 = arith.index_cast %get3A_141 : i32 to index
    %get3A_143 = arith.constant 176 : index
    %get3A_144 = tpu.vector_load %arg7[%get3A_142, %get3A_143] {strides = array<i32>} : memref<4x256xf32, #tpu.memory_space<vmem>>, vector<16xf32>,
    %add3A_145 = arith.constant 22528 : i32
    %add3A_146 = vector.broadcast %add3A_145 : i32 to vector<16xi32>
    %add3A_147 = arith.addi %add3A_146, %mul3A_5 : vector<16xi32>
    %add3A_148 = arith.addi %add3A_147, %get3A_140 : vector<16xi32>
    tpu.vector_store_idx %arg8[%add3A_148], %get3A_144 : memref<32768xf32, #tpu.memory_space<vmem>>[vector<16xi32>], vector<16xf32>,
    %get3A_149 = arith.constant 0 : i32
    %get3A_150 = arith.index_cast %get3A_149 : i32 to index
    %get3A_151 = arith.constant 192 : index
    %get3A_152 = tpu.vector_load %arg6[%get3A_150, %get3A_151] {strides = array<i32>} : memref<4x256xi32, #tpu.memory_space<vmem>>, vector<16xi32>,
    %get3A_153 = arith.constant 0 : i32
    %get3A_154 = arith.index_cast %get3A_153 : i32 to index
    %get3A_155 = arith.constant 192 : index
    %get3A_156 = tpu.vector_load %arg7[%get3A_154, %get3A_155] {strides = array<i32>} : memref<4x256xf32, #tpu.memory_space<vmem>>, vector<16xf32>,
    %add3A_157 = arith.constant 24576 : i32
    %add3A_158 = vector.broadcast %add3A_157 : i32 to vector<16xi32>
    %add3A_159 = arith.addi %add3A_158, %mul3A_5 : vector<16xi32>
    %add3A_160 = arith.addi %add3A_159, %get3A_152 : vector<16xi32>
    tpu.vector_store_idx %arg8[%add3A_160], %get3A_156 : memref<32768xf32, #tpu.memory_space<vmem>>[vector<16xi32>], vector<16xf32>,
    %get3A_161 = arith.constant 0 : i32
    %get3A_162 = arith.index_cast %get3A_161 : i32 to index
    %get3A_163 = arith.constant 208 : index
    %get3A_164 = tpu.vector_load %arg6[%get3A_162, %get3A_163] {strides = array<i32>} : memref<4x256xi32, #tpu.memory_space<vmem>>, vector<16xi32>,
    %get3A_165 = arith.constant 0 : i32
    %get3A_166 = arith.index_cast %get3A_165 : i32 to index
    %get3A_167 = arith.constant 208 : index
    %get3A_168 = tpu.vector_load %arg7[%get3A_166, %get3A_167] {strides = array<i32>} : memref<4x256xf32, #tpu.memory_space<vmem>>, vector<16xf32>,
    %add3A_169 = arith.constant 26624 : i32
    %add3A_170 = vector.broadcast %add3A_169 : i32 to vector<16xi32>
    %add3A_171 = arith.addi %add3A_170, %mul3A_5 : vector<16xi32>
    %add3A_172 = arith.addi %add3A_171, %get3A_164 : vector<16xi32>
    tpu.vector_store_idx %arg8[%add3A_172], %get3A_168 : memref<32768xf32, #tpu.memory_space<vmem>>[vector<16xi32>], vector<16xf32>,
    %get3A_173 = arith.constant 0 : i32
    %get3A_174 = arith.index_cast %get3A_173 : i32 to index
    %get3A_175 = arith.constant 224 : index
    %get3A_176 = tpu.vector_load %arg6[%get3A_174, %get3A_175] {strides = array<i32>} : memref<4x256xi32, #tpu.memory_space<vmem>>, vector<16xi32>,
    %get3A_177 = arith.constant 0 : i32
    %get3A_178 = arith.index_cast %get3A_177 : i32 to index
    %get3A_179 = arith.constant 224 : index
    %get3A_180 = tpu.vector_load %arg7[%get3A_178, %get3A_179] {strides = array<i32>} : memref<4x256xf32, #tpu.memory_space<vmem>>, vector<16xf32>,
    %add3A_181 = arith.constant 28672 : i32
    %add3A_182 = vector.broadcast %add3A_181 : i32 to vector<16xi32>
    %add3A_183 = arith.addi %add3A_182, %mul3A_5 : vector<16xi32>
    %add3A_184 = arith.addi %add3A_183, %get3A_176 : vector<16xi32>
    tpu.vector_store_idx %arg8[%add3A_184], %get3A_180 : memref<32768xf32, #tpu.memory_space<vmem>>[vector<16xi32>], vector<16xf32>,
    %get3A_185 = arith.constant 0 : i32
    %get3A_186 = arith.index_cast %get3A_185 : i32 to index
    %get3A_187 = arith.constant 240 : index
    %get3A_188 = tpu.vector_load %arg6[%get3A_186, %get3A_187] {strides = array<i32>} : memref<4x256xi32, #tpu.memory_space<vmem>>, vector<16xi32>,
    %get3A_189 = arith.constant 0 : i32
    %get3A_190 = arith.index_cast %get3A_189 : i32 to index
    %get3A_191 = arith.constant 240 : index
    %get3A_192 = tpu.vector_load %arg7[%get3A_190, %get3A_191] {strides = array<i32>} : memref<4x256xf32, #tpu.memory_space<vmem>>, vector<16xf32>,
    %add3A_193 = arith.constant 30720 : i32
    %add3A_194 = vector.broadcast %add3A_193 : i32 to vector<16xi32>
    %add3A_195 = arith.addi %add3A_194, %mul3A_5 : vector<16xi32>
    %add3A_196 = arith.addi %add3A_195, %get3A_188 : vector<16xi32>
    tpu.vector_store_idx %arg8[%add3A_196], %get3A_192 : memref<32768xf32, #tpu.memory_space<vmem>>[vector<16xi32>], vector<16xf32>,
    %get3A_197 = arith.constant 1 : i32
    %get3A_198 = arith.index_cast %get3A_197 : i32 to index
    %get3A_199 = arith.constant 0 : index
    %get3A_200 = tpu.vector_load %arg6[%get3A_198, %get3A_199] {strides = array<i32>} : memref<4x256xi32, #tpu.memory_space<vmem>>, vector<16xi32>,
    %get3A_201 = arith.constant 1 : i32
    %get3A_202 = arith.index_cast %get3A_201 : i32 to index
    %get3A_203 = arith.constant 0 : index
    %get3A_204 = tpu.vector_load %arg7[%get3A_202, %get3A_203] {strides = array<i32>} : memref<4x256xf32, #tpu.memory_space<vmem>>, vector<16xf32>,
    %add3A_205 = arith.constant 0 : i32
    %add3A_206 = vector.broadcast %add3A_205 : i32 to vector<16xi32>
    %add3A_207 = arith.addi %add3A_206, %mul3A_5 : vector<16xi32>
    %add3A_208 = arith.addi %add3A_207, %get3A_200 : vector<16xi32>
    tpu.vector_store_idx %arg8[%add3A_208], %get3A_204 : memref<32768xf32, #tpu.memory_space<vmem>>[vector<16xi32>], vector<16xf32>,
    %get3A_209 = arith.constant 1 : i32
    %get3A_210 = arith.index_cast %get3A_209 : i32 to index
    %get3A_211 = arith.constant 16 : index
    %get3A_212 = tpu.vector_load %arg6[%get3A_210, %get3A_211] {strides = array<i32>} : memref<4x256xi32, #tpu.memory_space<vmem>>, vector<16xi32>,
    %get3A_213 = arith.constant 1 : i32
    %get3A_214 = arith.index_cast %get3A_213 : i32 to index
    %get3A_215 = arith.constant 16 : index
    %get3A_216 = tpu.vector_load %arg7[%get3A_214, %get3A_215] {strides = array<i32>} : memref<4x256xf32, #tpu.memory_space<vmem>>, vector<16xf32>,
    %add3A_217 = arith.constant 2048 : i32
    %add3A_218 = vector.broadcast %add3A_217 : i32 to vector<16xi32>
    %add3A_219 = arith.addi %add3A_218, %mul3A_5 : vector<16xi32>
    %add3A_220 = arith.addi %add3A_219, %get3A_212 : vector<16xi32>
    tpu.vector_store_idx %arg8[%add3A_220], %get3A_216 : memref<32768xf32, #tpu.memory_space<vmem>>[vector<16xi32>], vector<16xf32>,
    %get3A_221 = arith.constant 1 : i32
    %get3A_222 = arith.index_cast %get3A_221 : i32 to index
    %get3A_223 = arith.constant 32 : index
    %get3A_224 = tpu.vector_load %arg6[%get3A_222, %get3A_223] {strides = array<i32>} : memref<4x256xi32, #tpu.memory_space<vmem>>, vector<16xi32>,
    %get3A_225 = arith.constant 1 : i32
    %get3A_226 = arith.index_cast %get3A_225 : i32 to index
    %get3A_227 = arith.constant 32 : index
    %get3A_228 = tpu.vector_load %arg7[%get3A_226, %get3A_227] {strides = array<i32>} : memref<4x256xf32, #tpu.memory_space<vmem>>, vector<16xf32>,
    %add3A_229 = arith.constant 4096 : i32
    %add3A_230 = vector.broadcast %add3A_229 : i32 to vector<16xi32>
    %add3A_231 = arith.addi %add3A_230, %mul3A_5 : vector<16xi32>
    %add3A_232 = arith.addi %add3A_231, %get3A_224 : vector<16xi32>
    tpu.vector_store_idx %arg8[%add3A_232], %get3A_228 : memref<32768xf32, #tpu.memory_space<vmem>>[vector<16xi32>], vector<16xf32>,
    %get3A_233 = arith.constant 1 : i32
    %get3A_234 = arith.index_cast %get3A_233 : i32 to index
    %get3A_235 = arith.constant 48 : index
    %get3A_236 = tpu.vector_load %arg6[%get3A_234, %get3A_235] {strides = array<i32>} : memref<4x256xi32, #tpu.memory_space<vmem>>, vector<16xi32>,
    %get3A_237 = arith.constant 1 : i32
    %get3A_238 = arith.index_cast %get3A_237 : i32 to index
    %get3A_239 = arith.constant 48 : index
    %get3A_240 = tpu.vector_load %arg7[%get3A_238, %get3A_239] {strides = array<i32>} : memref<4x256xf32, #tpu.memory_space<vmem>>, vector<16xf32>,
    %add3A_241 = arith.constant 6144 : i32
    %add3A_242 = vector.broadcast %add3A_241 : i32 to vector<16xi32>
    %add3A_243 = arith.addi %add3A_242, %mul3A_5 : vector<16xi32>
    %add3A_244 = arith.addi %add3A_243, %get3A_236 : vector<16xi32>
    tpu.vector_store_idx %arg8[%add3A_244], %get3A_240 : memref<32768xf32, #tpu.memory_space<vmem>>[vector<16xi32>], vector<16xf32>,
    %get3A_245 = arith.constant 1 : i32
    %get3A_246 = arith.index_cast %get3A_245 : i32 to index
    %get3A_247 = arith.constant 64 : index
    %get3A_248 = tpu.vector_load %arg6[%get3A_246, %get3A_247] {strides = array<i32>} : memref<4x256xi32, #tpu.memory_space<vmem>>, vector<16xi32>,
    %get3A_249 = arith.constant 1 : i32
    %get3A_250 = arith.index_cast %get3A_249 : i32 to index
    %get3A_251 = arith.constant 64 : index
    %get3A_252 = tpu.vector_load %arg7[%get3A_250, %get3A_251] {strides = array<i32>} : memref<4x256xf32, #tpu.memory_space<vmem>>, vector<16xf32>,
    %add3A_253 = arith.constant 8192 : i32
    %add3A_254 = vector.broadcast %add3A_253 : i32 to vector<16xi32>
    %add3A_255 = arith.addi %add3A_254, %mul3A_5 : vector<16xi32>
    %add3A_256 = arith.addi %add3A_255, %get3A_248 : vector<16xi32>
    tpu.vector_store_idx %arg8[%add3A_256], %get3A_252 : memref<32768xf32, #tpu.memory_space<vmem>>[vector<16xi32>], vector<16xf32>,
    %get3A_257 = arith.constant 1 : i32
    %get3A_258 = arith.index_cast %get3A_257 : i32 to index
    %get3A_259 = arith.constant 80 : index
    %get3A_260 = tpu.vector_load %arg6[%get3A_258, %get3A_259] {strides = array<i32>} : memref<4x256xi32, #tpu.memory_space<vmem>>, vector<16xi32>,
    %get3A_261 = arith.constant 1 : i32
    %get3A_262 = arith.index_cast %get3A_261 : i32 to index
    %get3A_263 = arith.constant 80 : index
    %get3A_264 = tpu.vector_load %arg7[%get3A_262, %get3A_263] {strides = array<i32>} : memref<4x256xf32, #tpu.memory_space<vmem>>, vector<16xf32>,
    %add3A_265 = arith.constant 10240 : i32
    %add3A_266 = vector.broadcast %add3A_265 : i32 to vector<16xi32>
    %add3A_267 = arith.addi %add3A_266, %mul3A_5 : vector<16xi32>
    %add3A_268 = arith.addi %add3A_267, %get3A_260 : vector<16xi32>
    tpu.vector_store_idx %arg8[%add3A_268], %get3A_264 : memref<32768xf32, #tpu.memory_space<vmem>>[vector<16xi32>], vector<16xf32>,
    %get3A_269 = arith.constant 1 : i32
    %get3A_270 = arith.index_cast %get3A_269 : i32 to index
    %get3A_271 = arith.constant 96 : index
    %get3A_272 = tpu.vector_load %arg6[%get3A_270, %get3A_271] {strides = array<i32>} : memref<4x256xi32, #tpu.memory_space<vmem>>, vector<16xi32>,
    %get3A_273 = arith.constant 1 : i32
    %get3A_274 = arith.index_cast %get3A_273 : i32 to index
    %get3A_275 = arith.constant 96 : index
    %get3A_276 = tpu.vector_load %arg7[%get3A_274, %get3A_275] {strides = array<i32>} : memref<4x256xf32, #tpu.memory_space<vmem>>, vector<16xf32>,
    %add3A_277 = arith.constant 12288 : i32
    %add3A_278 = vector.broadcast %add3A_277 : i32 to vector<16xi32>
    %add3A_279 = arith.addi %add3A_278, %mul3A_5 : vector<16xi32>
    %add3A_280 = arith.addi %add3A_279, %get3A_272 : vector<16xi32>
    tpu.vector_store_idx %arg8[%add3A_280], %get3A_276 : memref<32768xf32, #tpu.memory_space<vmem>>[vector<16xi32>], vector<16xf32>,
    %get3A_281 = arith.constant 1 : i32
    %get3A_282 = arith.index_cast %get3A_281 : i32 to index
    %get3A_283 = arith.constant 112 : index
    %get3A_284 = tpu.vector_load %arg6[%get3A_282, %get3A_283] {strides = array<i32>} : memref<4x256xi32, #tpu.memory_space<vmem>>, vector<16xi32>,
    %get3A_285 = arith.constant 1 : i32
    %get3A_286 = arith.index_cast %get3A_285 : i32 to index
    %get3A_287 = arith.constant 112 : index
    %get3A_288 = tpu.vector_load %arg7[%get3A_286, %get3A_287] {strides = array<i32>} : memref<4x256xf32, #tpu.memory_space<vmem>>, vector<16xf32>,
    %add3A_289 = arith.constant 14336 : i32
    %add3A_290 = vector.broadcast %add3A_289 : i32 to vector<16xi32>
    %add3A_291 = arith.addi %add3A_290, %mul3A_5 : vector<16xi32>
    %add3A_292 = arith.addi %add3A_291, %get3A_284 : vector<16xi32>
    tpu.vector_store_idx %arg8[%add3A_292], %get3A_288 : memref<32768xf32, #tpu.memory_space<vmem>>[vector<16xi32>], vector<16xf32>,
    %get3A_293 = arith.constant 1 : i32
    %get3A_294 = arith.index_cast %get3A_293 : i32 to index
    %get3A_295 = arith.constant 128 : index
    %get3A_296 = tpu.vector_load %arg6[%get3A_294, %get3A_295] {strides = array<i32>} : memref<4x256xi32, #tpu.memory_space<vmem>>, vector<16xi32>,
    %get3A_297 = arith.constant 1 : i32
    %get3A_298 = arith.index_cast %get3A_297 : i32 to index
    %get3A_299 = arith.constant 128 : index
    %get3A_300 = tpu.vector_load %arg7[%get3A_298, %get3A_299] {strides = array<i32>} : memref<4x256xf32, #tpu.memory_space<vmem>>, vector<16xf32>,
    %add3A_301 = arith.constant 16384 : i32
    %add3A_302 = vector.broadcast %add3A_301 : i32 to vector<16xi32>
    %add3A_303 = arith.addi %add3A_302, %mul3A_5 : vector<16xi32>
    %add3A_304 = arith.addi %add3A_303, %get3A_296 : vector<16xi32>
    tpu.vector_store_idx %arg8[%add3A_304], %get3A_300 : memref<32768xf32, #tpu.memory_space<vmem>>[vector<16xi32>], vector<16xf32>,
    %get3A_305 = arith.constant 1 : i32
    %get3A_306 = arith.index_cast %get3A_305 : i32 to index
    %get3A_307 = arith.constant 144 : index
    %get3A_308 = tpu.vector_load %arg6[%get3A_306, %get3A_307] {strides = array<i32>} : memref<4x256xi32, #tpu.memory_space<vmem>>, vector<16xi32>,
    %get3A_309 = arith.constant 1 : i32
    %get3A_310 = arith.index_cast %get3A_309 : i32 to index
    %get3A_311 = arith.constant 144 : index
    %get3A_312 = tpu.vector_load %arg7[%get3A_310, %get3A_311] {strides = array<i32>} : memref<4x256xf32, #tpu.memory_space<vmem>>, vector<16xf32>,
    %add3A_313 = arith.constant 18432 : i32
    %add3A_314 = vector.broadcast %add3A_313 : i32 to vector<16xi32>
    %add3A_315 = arith.addi %add3A_314, %mul3A_5 : vector<16xi32>
    %add3A_316 = arith.addi %add3A_315, %get3A_308 : vector<16xi32>
    tpu.vector_store_idx %arg8[%add3A_316], %get3A_312 : memref<32768xf32, #tpu.memory_space<vmem>>[vector<16xi32>], vector<16xf32>,
    %get3A_317 = arith.constant 1 : i32
    %get3A_318 = arith.index_cast %get3A_317 : i32 to index
    %get3A_319 = arith.constant 160 : index
    %get3A_320 = tpu.vector_load %arg6[%get3A_318, %get3A_319] {strides = array<i32>} : memref<4x256xi32, #tpu.memory_space<vmem>>, vector<16xi32>,
    %get3A_321 = arith.constant 1 : i32
    %get3A_322 = arith.index_cast %get3A_321 : i32 to index
    %get3A_323 = arith.constant 160 : index
    %get3A_324 = tpu.vector_load %arg7[%get3A_322, %get3A_323] {strides = array<i32>} : memref<4x256xf32, #tpu.memory_space<vmem>>, vector<16xf32>,
    %add3A_325 = arith.constant 20480 : i32
    %add3A_326 = vector.broadcast %add3A_325 : i32 to vector<16xi32>
    %add3A_327 = arith.addi %add3A_326, %mul3A_5 : vector<16xi32>
    %add3A_328 = arith.addi %add3A_327, %get3A_320 : vector<16xi32>
    tpu.vector_store_idx %arg8[%add3A_328], %get3A_324 : memref<32768xf32, #tpu.memory_space<vmem>>[vector<16xi32>], vector<16xf32>,
    %get3A_329 = arith.constant 1 : i32
    %get3A_330 = arith.index_cast %get3A_329 : i32 to index
    %get3A_331 = arith.constant 176 : index
    %get3A_332 = tpu.vector_load %arg6[%get3A_330, %get3A_331] {strides = array<i32>} : memref<4x256xi32, #tpu.memory_space<vmem>>, vector<16xi32>,
    %get3A_333 = arith.constant 1 : i32
    %get3A_334 = arith.index_cast %get3A_333 : i32 to index
    %get3A_335 = arith.constant 176 : index
    %get3A_336 = tpu.vector_load %arg7[%get3A_334, %get3A_335] {strides = array<i32>} : memref<4x256xf32, #tpu.memory_space<vmem>>, vector<16xf32>,
    %add3A_337 = arith.constant 22528 : i32
    %add3A_338 = vector.broadcast %add3A_337 : i32 to vector<16xi32>
    %add3A_339 = arith.addi %add3A_338, %mul3A_5 : vector<16xi32>
    %add3A_340 = arith.addi %add3A_339, %get3A_332 : vector<16xi32>
    tpu.vector_store_idx %arg8[%add3A_340], %get3A_336 : memref<32768xf32, #tpu.memory_space<vmem>>[vector<16xi32>], vector<16xf32>,
    %get3A_341 = arith.constant 1 : i32
    %get3A_342 = arith.index_cast %get3A_341 : i32 to index
    %get3A_343 = arith.constant 192 : index
    %get3A_344 = tpu.vector_load %arg6[%get3A_342, %get3A_343] {strides = array<i32>} : memref<4x256xi32, #tpu.memory_space<vmem>>, vector<16xi32>,
    %get3A_345 = arith.constant 1 : i32
    %get3A_346 = arith.index_cast %get3A_345 : i32 to index
    %get3A_347 = arith.constant 192 : index
    %get3A_348 = tpu.vector_load %arg7[%get3A_346, %get3A_347] {strides = array<i32>} : memref<4x256xf32, #tpu.memory_space<vmem>>, vector<16xf32>,
    %add3A_349 = arith.constant 24576 : i32
    %add3A_350 = vector.broadcast %add3A_349 : i32 to vector<16xi32>
    %add3A_351 = arith.addi %add3A_350, %mul3A_5 : vector<16xi32>
    %add3A_352 = arith.addi %add3A_351, %get3A_344 : vector<16xi32>
    tpu.vector_store_idx %arg8[%add3A_352], %get3A_348 : memref<32768xf32, #tpu.memory_space<vmem>>[vector<16xi32>], vector<16xf32>,
    %get3A_353 = arith.constant 1 : i32
    %get3A_354 = arith.index_cast %get3A_353 : i32 to index
    %get3A_355 = arith.constant 208 : index
    %get3A_356 = tpu.vector_load %arg6[%get3A_354, %get3A_355] {strides = array<i32>} : memref<4x256xi32, #tpu.memory_space<vmem>>, vector<16xi32>,
    %get3A_357 = arith.constant 1 : i32
    %get3A_358 = arith.index_cast %get3A_357 : i32 to index
    %get3A_359 = arith.constant 208 : index
    %get3A_360 = tpu.vector_load %arg7[%get3A_358, %get3A_359] {strides = array<i32>} : memref<4x256xf32, #tpu.memory_space<vmem>>, vector<16xf32>,
    %add3A_361 = arith.constant 26624 : i32
    %add3A_362 = vector.broadcast %add3A_361 : i32 to vector<16xi32>
    %add3A_363 = arith.addi %add3A_362, %mul3A_5 : vector<16xi32>
    %add3A_364 = arith.addi %add3A_363, %get3A_356 : vector<16xi32>
    tpu.vector_store_idx %arg8[%add3A_364], %get3A_360 : memref<32768xf32, #tpu.memory_space<vmem>>[vector<16xi32>], vector<16xf32>,
    %get3A_365 = arith.constant 1 : i32
    %get3A_366 = arith.index_cast %get3A_365 : i32 to index
    %get3A_367 = arith.constant 224 : index
    %get3A_368 = tpu.vector_load %arg6[%get3A_366, %get3A_367] {strides = array<i32>} : memref<4x256xi32, #tpu.memory_space<vmem>>, vector<16xi32>,
    %get3A_369 = arith.constant 1 : i32
    %get3A_370 = arith.index_cast %get3A_369 : i32 to index
    %get3A_371 = arith.constant 224 : index
    %get3A_372 = tpu.vector_load %arg7[%get3A_370, %get3A_371] {strides = array<i32>} : memref<4x256xf32, #tpu.memory_space<vmem>>, vector<16xf32>,
    %add3A_373 = arith.constant 28672 : i32
    %add3A_374 = vector.broadcast %add3A_373 : i32 to vector<16xi32>
    %add3A_375 = arith.addi %add3A_374, %mul3A_5 : vector<16xi32>
    %add3A_376 = arith.addi %add3A_375, %get3A_368 : vector<16xi32>
    tpu.vector_store_idx %arg8[%add3A_376], %get3A_372 : memref<32768xf32, #tpu.memory_space<vmem>>[vector<16xi32>], vector<16xf32>,
    %get3A_377 = arith.constant 1 : i32
    %get3A_378 = arith.index_cast %get3A_377 : i32 to index
    %get3A_379 = arith.constant 240 : index
    %get3A_380 = tpu.vector_load %arg6[%get3A_378, %get3A_379] {strides = array<i32>} : memref<4x256xi32, #tpu.memory_space<vmem>>, vector<16xi32>,
    %get3A_381 = arith.constant 1 : i32
    %get3A_382 = arith.index_cast %get3A_381 : i32 to index
    %get3A_383 = arith.constant 240 : index
    %get3A_384 = tpu.vector_load %arg7[%get3A_382, %get3A_383] {strides = array<i32>} : memref<4x256xf32, #tpu.memory_space<vmem>>, vector<16xf32>,
    %add3A_385 = arith.constant 30720 : i32
    %add3A_386 = vector.broadcast %add3A_385 : i32 to vector<16xi32>
    %add3A_387 = arith.addi %add3A_386, %mul3A_5 : vector<16xi32>
    %add3A_388 = arith.addi %add3A_387, %get3A_380 : vector<16xi32>
    tpu.vector_store_idx %arg8[%add3A_388], %get3A_384 : memref<32768xf32, #tpu.memory_space<vmem>>[vector<16xi32>], vector<16xf32>,
    %get3A_389 = arith.constant 2 : i32
    %get3A_390 = arith.index_cast %get3A_389 : i32 to index
    %get3A_391 = arith.constant 0 : index
    %get3A_392 = tpu.vector_load %arg6[%get3A_390, %get3A_391] {strides = array<i32>} : memref<4x256xi32, #tpu.memory_space<vmem>>, vector<16xi32>,
    %get3A_393 = arith.constant 2 : i32
    %get3A_394 = arith.index_cast %get3A_393 : i32 to index
    %get3A_395 = arith.constant 0 : index
    %get3A_396 = tpu.vector_load %arg7[%get3A_394, %get3A_395] {strides = array<i32>} : memref<4x256xf32, #tpu.memory_space<vmem>>, vector<16xf32>,
    %add3A_397 = arith.constant 0 : i32
    %add3A_398 = vector.broadcast %add3A_397 : i32 to vector<16xi32>
    %add3A_399 = arith.addi %add3A_398, %mul3A_5 : vector<16xi32>
    %add3A_400 = arith.addi %add3A_399, %get3A_392 : vector<16xi32>
    tpu.vector_store_idx %arg8[%add3A_400], %get3A_396 : memref<32768xf32, #tpu.memory_space<vmem>>[vector<16xi32>], vector<16xf32>,
    %get3A_401 = arith.constant 2 : i32
    %get3A_402 = arith.index_cast %get3A_401 : i32 to index
    %get3A_403 = arith.constant 16 : index
    %get3A_404 = tpu.vector_load %arg6[%get3A_402, %get3A_403] {strides = array<i32>} : memref<4x256xi32, #tpu.memory_space<vmem>>, vector<16xi32>,
    %get3A_405 = arith.constant 2 : i32
    %get3A_406 = arith.index_cast %get3A_405 : i32 to index
    %get3A_407 = arith.constant 16 : index
    %get3A_408 = tpu.vector_load %arg7[%get3A_406, %get3A_407] {strides = array<i32>} : memref<4x256xf32, #tpu.memory_space<vmem>>, vector<16xf32>,
    %add3A_409 = arith.constant 2048 : i32
    %add3A_410 = vector.broadcast %add3A_409 : i32 to vector<16xi32>
    %add3A_411 = arith.addi %add3A_410, %mul3A_5 : vector<16xi32>
    %add3A_412 = arith.addi %add3A_411, %get3A_404 : vector<16xi32>
    tpu.vector_store_idx %arg8[%add3A_412], %get3A_408 : memref<32768xf32, #tpu.memory_space<vmem>>[vector<16xi32>], vector<16xf32>,
    %get3A_413 = arith.constant 2 : i32
    %get3A_414 = arith.index_cast %get3A_413 : i32 to index
    %get3A_415 = arith.constant 32 : index
    %get3A_416 = tpu.vector_load %arg6[%get3A_414, %get3A_415] {strides = array<i32>} : memref<4x256xi32, #tpu.memory_space<vmem>>, vector<16xi32>,
    %get3A_417 = arith.constant 2 : i32
    %get3A_418 = arith.index_cast %get3A_417 : i32 to index
    %get3A_419 = arith.constant 32 : index
    %get3A_420 = tpu.vector_load %arg7[%get3A_418, %get3A_419] {strides = array<i32>} : memref<4x256xf32, #tpu.memory_space<vmem>>, vector<16xf32>,
    %add3A_421 = arith.constant 4096 : i32
    %add3A_422 = vector.broadcast %add3A_421 : i32 to vector<16xi32>
    %add3A_423 = arith.addi %add3A_422, %mul3A_5 : vector<16xi32>
    %add3A_424 = arith.addi %add3A_423, %get3A_416 : vector<16xi32>
    tpu.vector_store_idx %arg8[%add3A_424], %get3A_420 : memref<32768xf32, #tpu.memory_space<vmem>>[vector<16xi32>], vector<16xf32>,
    %get3A_425 = arith.constant 2 : i32
    %get3A_426 = arith.index_cast %get3A_425 : i32 to index
    %get3A_427 = arith.constant 48 : index
    %get3A_428 = tpu.vector_load %arg6[%get3A_426, %get3A_427] {strides = array<i32>} : memref<4x256xi32, #tpu.memory_space<vmem>>, vector<16xi32>,
    %get3A_429 = arith.constant 2 : i32
    %get3A_430 = arith.index_cast %get3A_429 : i32 to index
    %get3A_431 = arith.constant 48 : index
    %get3A_432 = tpu.vector_load %arg7[%get3A_430, %get3A_431] {strides = array<i32>} : memref<4x256xf32, #tpu.memory_space<vmem>>, vector<16xf32>,
    %add3A_433 = arith.constant 6144 : i32
    %add3A_434 = vector.broadcast %add3A_433 : i32 to vector<16xi32>
    %add3A_435 = arith.addi %add3A_434, %mul3A_5 : vector<16xi32>
    %add3A_436 = arith.addi %add3A_435, %get3A_428 : vector<16xi32>
    tpu.vector_store_idx %arg8[%add3A_436], %get3A_432 : memref<32768xf32, #tpu.memory_space<vmem>>[vector<16xi32>], vector<16xf32>,
    %get3A_437 = arith.constant 2 : i32
    %get3A_438 = arith.index_cast %get3A_437 : i32 to index
    %get3A_439 = arith.constant 64 : index
    %get3A_440 = tpu.vector_load %arg6[%get3A_438, %get3A_439] {strides = array<i32>} : memref<4x256xi32, #tpu.memory_space<vmem>>, vector<16xi32>,
    %get3A_441 = arith.constant 2 : i32
    %get3A_442 = arith.index_cast %get3A_441 : i32 to index
    %get3A_443 = arith.constant 64 : index
    %get3A_444 = tpu.vector_load %arg7[%get3A_442, %get3A_443] {strides = array<i32>} : memref<4x256xf32, #tpu.memory_space<vmem>>, vector<16xf32>,
    %add3A_445 = arith.constant 8192 : i32
    %add3A_446 = vector.broadcast %add3A_445 : i32 to vector<16xi32>
    %add3A_447 = arith.addi %add3A_446, %mul3A_5 : vector<16xi32>
    %add3A_448 = arith.addi %add3A_447, %get3A_440 : vector<16xi32>
    tpu.vector_store_idx %arg8[%add3A_448], %get3A_444 : memref<32768xf32, #tpu.memory_space<vmem>>[vector<16xi32>], vector<16xf32>,
    %get3A_449 = arith.constant 2 : i32
    %get3A_450 = arith.index_cast %get3A_449 : i32 to index
    %get3A_451 = arith.constant 80 : index
    %get3A_452 = tpu.vector_load %arg6[%get3A_450, %get3A_451] {strides = array<i32>} : memref<4x256xi32, #tpu.memory_space<vmem>>, vector<16xi32>,
    %get3A_453 = arith.constant 2 : i32
    %get3A_454 = arith.index_cast %get3A_453 : i32 to index
    %get3A_455 = arith.constant 80 : index
    %get3A_456 = tpu.vector_load %arg7[%get3A_454, %get3A_455] {strides = array<i32>} : memref<4x256xf32, #tpu.memory_space<vmem>>, vector<16xf32>,
    %add3A_457 = arith.constant 10240 : i32
    %add3A_458 = vector.broadcast %add3A_457 : i32 to vector<16xi32>
    %add3A_459 = arith.addi %add3A_458, %mul3A_5 : vector<16xi32>
    %add3A_460 = arith.addi %add3A_459, %get3A_452 : vector<16xi32>
    tpu.vector_store_idx %arg8[%add3A_460], %get3A_456 : memref<32768xf32, #tpu.memory_space<vmem>>[vector<16xi32>], vector<16xf32>,
    %get3A_461 = arith.constant 2 : i32
    %get3A_462 = arith.index_cast %get3A_461 : i32 to index
    %get3A_463 = arith.constant 96 : index
    %get3A_464 = tpu.vector_load %arg6[%get3A_462, %get3A_463] {strides = array<i32>} : memref<4x256xi32, #tpu.memory_space<vmem>>, vector<16xi32>,
    %get3A_465 = arith.constant 2 : i32
    %get3A_466 = arith.index_cast %get3A_465 : i32 to index
    %get3A_467 = arith.constant 96 : index
    %get3A_468 = tpu.vector_load %arg7[%get3A_466, %get3A_467] {strides = array<i32>} : memref<4x256xf32, #tpu.memory_space<vmem>>, vector<16xf32>,
    %add3A_469 = arith.constant 12288 : i32
    %add3A_470 = vector.broadcast %add3A_469 : i32 to vector<16xi32>
    %add3A_471 = arith.addi %add3A_470, %mul3A_5 : vector<16xi32>
    %add3A_472 = arith.addi %add3A_471, %get3A_464 : vector<16xi32>
    tpu.vector_store_idx %arg8[%add3A_472], %get3A_468 : memref<32768xf32, #tpu.memory_space<vmem>>[vector<16xi32>], vector<16xf32>,
    %get3A_473 = arith.constant 2 : i32
    %get3A_474 = arith.index_cast %get3A_473 : i32 to index
    %get3A_475 = arith.constant 112 : index
    %get3A_476 = tpu.vector_load %arg6[%get3A_474, %get3A_475] {strides = array<i32>} : memref<4x256xi32, #tpu.memory_space<vmem>>, vector<16xi32>,
    %get3A_477 = arith.constant 2 : i32
    %get3A_478 = arith.index_cast %get3A_477 : i32 to index
    %get3A_479 = arith.constant 112 : index
    %get3A_480 = tpu.vector_load %arg7[%get3A_478, %get3A_479] {strides = array<i32>} : memref<4x256xf32, #tpu.memory_space<vmem>>, vector<16xf32>,
    %add3A_481 = arith.constant 14336 : i32
    %add3A_482 = vector.broadcast %add3A_481 : i32 to vector<16xi32>
    %add3A_483 = arith.addi %add3A_482, %mul3A_5 : vector<16xi32>
    %add3A_484 = arith.addi %add3A_483, %get3A_476 : vector<16xi32>
    tpu.vector_store_idx %arg8[%add3A_484], %get3A_480 : memref<32768xf32, #tpu.memory_space<vmem>>[vector<16xi32>], vector<16xf32>,
    %get3A_485 = arith.constant 2 : i32
    %get3A_486 = arith.index_cast %get3A_485 : i32 to index
    %get3A_487 = arith.constant 128 : index
    %get3A_488 = tpu.vector_load %arg6[%get3A_486, %get3A_487] {strides = array<i32>} : memref<4x256xi32, #tpu.memory_space<vmem>>, vector<16xi32>,
    %get3A_489 = arith.constant 2 : i32
    %get3A_490 = arith.index_cast %get3A_489 : i32 to index
    %get3A_491 = arith.constant 128 : index
    %get3A_492 = tpu.vector_load %arg7[%get3A_490, %get3A_491] {strides = array<i32>} : memref<4x256xf32, #tpu.memory_space<vmem>>, vector<16xf32>,
    %add3A_493 = arith.constant 16384 : i32
    %add3A_494 = vector.broadcast %add3A_493 : i32 to vector<16xi32>
    %add3A_495 = arith.addi %add3A_494, %mul3A_5 : vector<16xi32>
    %add3A_496 = arith.addi %add3A_495, %get3A_488 : vector<16xi32>
    tpu.vector_store_idx %arg8[%add3A_496], %get3A_492 : memref<32768xf32, #tpu.memory_space<vmem>>[vector<16xi32>], vector<16xf32>,
    %get3A_497 = arith.constant 2 : i32
    %get3A_498 = arith.index_cast %get3A_497 : i32 to index
    %get3A_499 = arith.constant 144 : index
    %get3A_500 = tpu.vector_load %arg6[%get3A_498, %get3A_499] {strides = array<i32>} : memref<4x256xi32, #tpu.memory_space<vmem>>, vector<16xi32>,
    %get3A_501 = arith.constant 2 : i32
    %get3A_502 = arith.index_cast %get3A_501 : i32 to index
    %get3A_503 = arith.constant 144 : index
    %get3A_504 = tpu.vector_load %arg7[%get3A_502, %get3A_503] {strides = array<i32>} : memref<4x256xf32, #tpu.memory_space<vmem>>, vector<16xf32>,
    %add3A_505 = arith.constant 18432 : i32
    %add3A_506 = vector.broadcast %add3A_505 : i32 to vector<16xi32>
    %add3A_507 = arith.addi %add3A_506, %mul3A_5 : vector<16xi32>
    %add3A_508 = arith.addi %add3A_507, %get3A_500 : vector<16xi32>
    tpu.vector_store_idx %arg8[%add3A_508], %get3A_504 : memref<32768xf32, #tpu.memory_space<vmem>>[vector<16xi32>], vector<16xf32>,
    %get3A_509 = arith.constant 2 : i32
    %get3A_510 = arith.index_cast %get3A_509 : i32 to index
    %get3A_511 = arith.constant 160 : index
    %get3A_512 = tpu.vector_load %arg6[%get3A_510, %get3A_511] {strides = array<i32>} : memref<4x256xi32, #tpu.memory_space<vmem>>, vector<16xi32>,
    %get3A_513 = arith.constant 2 : i32
    %get3A_514 = arith.index_cast %get3A_513 : i32 to index
    %get3A_515 = arith.constant 160 : index
    %get3A_516 = tpu.vector_load %arg7[%get3A_514, %get3A_515] {strides = array<i32>} : memref<4x256xf32, #tpu.memory_space<vmem>>, vector<16xf32>,
    %add3A_517 = arith.constant 20480 : i32
    %add3A_518 = vector.broadcast %add3A_517 : i32 to vector<16xi32>
    %add3A_519 = arith.addi %add3A_518, %mul3A_5 : vector<16xi32>
    %add3A_520 = arith.addi %add3A_519, %get3A_512 : vector<16xi32>
    tpu.vector_store_idx %arg8[%add3A_520], %get3A_516 : memref<32768xf32, #tpu.memory_space<vmem>>[vector<16xi32>], vector<16xf32>,
    %get3A_521 = arith.constant 2 : i32
    %get3A_522 = arith.index_cast %get3A_521 : i32 to index
    %get3A_523 = arith.constant 176 : index
    %get3A_524 = tpu.vector_load %arg6[%get3A_522, %get3A_523] {strides = array<i32>} : memref<4x256xi32, #tpu.memory_space<vmem>>, vector<16xi32>,
    %get3A_525 = arith.constant 2 : i32
    %get3A_526 = arith.index_cast %get3A_525 : i32 to index
    %get3A_527 = arith.constant 176 : index
    %get3A_528 = tpu.vector_load %arg7[%get3A_526, %get3A_527] {strides = array<i32>} : memref<4x256xf32, #tpu.memory_space<vmem>>, vector<16xf32>,
    %add3A_529 = arith.constant 22528 : i32
    %add3A_530 = vector.broadcast %add3A_529 : i32 to vector<16xi32>
    %add3A_531 = arith.addi %add3A_530, %mul3A_5 : vector<16xi32>
    %add3A_532 = arith.addi %add3A_531, %get3A_524 : vector<16xi32>
    tpu.vector_store_idx %arg8[%add3A_532], %get3A_528 : memref<32768xf32, #tpu.memory_space<vmem>>[vector<16xi32>], vector<16xf32>,
    %get3A_533 = arith.constant 2 : i32
    %get3A_534 = arith.index_cast %get3A_533 : i32 to index
    %get3A_535 = arith.constant 192 : index
    %get3A_536 = tpu.vector_load %arg6[%get3A_534, %get3A_535] {strides = array<i32>} : memref<4x256xi32, #tpu.memory_space<vmem>>, vector<16xi32>,
    %get3A_537 = arith.constant 2 : i32
    %get3A_538 = arith.index_cast %get3A_537 : i32 to index
    %get3A_539 = arith.constant 192 : index
    %get3A_540 = tpu.vector_load %arg7[%get3A_538, %get3A_539] {strides = array<i32>} : memref<4x256xf32, #tpu.memory_space<vmem>>, vector<16xf32>,
    %add3A_541 = arith.constant 24576 : i32
    %add3A_542 = vector.broadcast %add3A_541 : i32 to vector<16xi32>
    %add3A_543 = arith.addi %add3A_542, %mul3A_5 : vector<16xi32>
    %add3A_544 = arith.addi %add3A_543, %get3A_536 : vector<16xi32>
    tpu.vector_store_idx %arg8[%add3A_544], %get3A_540 : memref<32768xf32, #tpu.memory_space<vmem>>[vector<16xi32>], vector<16xf32>,
    %get3A_545 = arith.constant 2 : i32
    %get3A_546 = arith.index_cast %get3A_545 : i32 to index
    %get3A_547 = arith.constant 208 : index
    %get3A_548 = tpu.vector_load %arg6[%get3A_546, %get3A_547] {strides = array<i32>} : memref<4x256xi32, #tpu.memory_space<vmem>>, vector<16xi32>,
    %get3A_549 = arith.constant 2 : i32
    %get3A_550 = arith.index_cast %get3A_549 : i32 to index
    %get3A_551 = arith.constant 208 : index
    %get3A_552 = tpu.vector_load %arg7[%get3A_550, %get3A_551] {strides = array<i32>} : memref<4x256xf32, #tpu.memory_space<vmem>>, vector<16xf32>,
    %add3A_553 = arith.constant 26624 : i32
    %add3A_554 = vector.broadcast %add3A_553 : i32 to vector<16xi32>
    %add3A_555 = arith.addi %add3A_554, %mul3A_5 : vector<16xi32>
    %add3A_556 = arith.addi %add3A_555, %get3A_548 : vector<16xi32>
    tpu.vector_store_idx %arg8[%add3A_556], %get3A_552 : memref<32768xf32, #tpu.memory_space<vmem>>[vector<16xi32>], vector<16xf32>,
    %get3A_557 = arith.constant 2 : i32
    %get3A_558 = arith.index_cast %get3A_557 : i32 to index
    %get3A_559 = arith.constant 224 : index
    %get3A_560 = tpu.vector_load %arg6[%get3A_558, %get3A_559] {strides = array<i32>} : memref<4x256xi32, #tpu.memory_space<vmem>>, vector<16xi32>,
    %get3A_561 = arith.constant 2 : i32
    %get3A_562 = arith.index_cast %get3A_561 : i32 to index
    %get3A_563 = arith.constant 224 : index
    %get3A_564 = tpu.vector_load %arg7[%get3A_562, %get3A_563] {strides = array<i32>} : memref<4x256xf32, #tpu.memory_space<vmem>>, vector<16xf32>,
    %add3A_565 = arith.constant 28672 : i32
    %add3A_566 = vector.broadcast %add3A_565 : i32 to vector<16xi32>
    %add3A_567 = arith.addi %add3A_566, %mul3A_5 : vector<16xi32>
    %add3A_568 = arith.addi %add3A_567, %get3A_560 : vector<16xi32>
    tpu.vector_store_idx %arg8[%add3A_568], %get3A_564 : memref<32768xf32, #tpu.memory_space<vmem>>[vector<16xi32>], vector<16xf32>,
    %get3A_569 = arith.constant 2 : i32
    %get3A_570 = arith.index_cast %get3A_569 : i32 to index
    %get3A_571 = arith.constant 240 : index
    %get3A_572 = tpu.vector_load %arg6[%get3A_570, %get3A_571] {strides = array<i32>} : memref<4x256xi32, #tpu.memory_space<vmem>>, vector<16xi32>,
    %get3A_573 = arith.constant 2 : i32
    %get3A_574 = arith.index_cast %get3A_573 : i32 to index
    %get3A_575 = arith.constant 240 : index
    %get3A_576 = tpu.vector_load %arg7[%get3A_574, %get3A_575] {strides = array<i32>} : memref<4x256xf32, #tpu.memory_space<vmem>>, vector<16xf32>,
    %add3A_577 = arith.constant 30720 : i32
    %add3A_578 = vector.broadcast %add3A_577 : i32 to vector<16xi32>
    %add3A_579 = arith.addi %add3A_578, %mul3A_5 : vector<16xi32>
    %add3A_580 = arith.addi %add3A_579, %get3A_572 : vector<16xi32>
    tpu.vector_store_idx %arg8[%add3A_580], %get3A_576 : memref<32768xf32, #tpu.memory_space<vmem>>[vector<16xi32>], vector<16xf32>,
    %get3A_581 = arith.constant 3 : i32
    %get3A_582 = arith.index_cast %get3A_581 : i32 to index
    %get3A_583 = arith.constant 0 : index
    %get3A_584 = tpu.vector_load %arg6[%get3A_582, %get3A_583] {strides = array<i32>} : memref<4x256xi32, #tpu.memory_space<vmem>>, vector<16xi32>,
    %get3A_585 = arith.constant 3 : i32
    %get3A_586 = arith.index_cast %get3A_585 : i32 to index
    %get3A_587 = arith.constant 0 : index
    %get3A_588 = tpu.vector_load %arg7[%get3A_586, %get3A_587] {strides = array<i32>} : memref<4x256xf32, #tpu.memory_space<vmem>>, vector<16xf32>,
    %add3A_589 = arith.constant 0 : i32
    %add3A_590 = vector.broadcast %add3A_589 : i32 to vector<16xi32>
    %add3A_591 = arith.addi %add3A_590, %mul3A_5 : vector<16xi32>
    %add3A_592 = arith.addi %add3A_591, %get3A_584 : vector<16xi32>
    tpu.vector_store_idx %arg8[%add3A_592], %get3A_588 : memref<32768xf32, #tpu.memory_space<vmem>>[vector<16xi32>], vector<16xf32>,
    %get3A_593 = arith.constant 3 : i32
    %get3A_594 = arith.index_cast %get3A_593 : i32 to index
    %get3A_595 = arith.constant 16 : index
    %get3A_596 = tpu.vector_load %arg6[%get3A_594, %get3A_595] {strides = array<i32>} : memref<4x256xi32, #tpu.memory_space<vmem>>, vector<16xi32>,
    %get3A_597 = arith.constant 3 : i32
    %get3A_598 = arith.index_cast %get3A_597 : i32 to index
    %get3A_599 = arith.constant 16 : index
    %get3A_600 = tpu.vector_load %arg7[%get3A_598, %get3A_599] {strides = array<i32>} : memref<4x256xf32, #tpu.memory_space<vmem>>, vector<16xf32>,
    %add3A_601 = arith.constant 2048 : i32
    %add3A_602 = vector.broadcast %add3A_601 : i32 to vector<16xi32>
    %add3A_603 = arith.addi %add3A_602, %mul3A_5 : vector<16xi32>
    %add3A_604 = arith.addi %add3A_603, %get3A_596 : vector<16xi32>
    tpu.vector_store_idx %arg8[%add3A_604], %get3A_600 : memref<32768xf32, #tpu.memory_space<vmem>>[vector<16xi32>], vector<16xf32>,
    %get3A_605 = arith.constant 3 : i32
    %get3A_606 = arith.index_cast %get3A_605 : i32 to index
    %get3A_607 = arith.constant 32 : index
    %get3A_608 = tpu.vector_load %arg6[%get3A_606, %get3A_607] {strides = array<i32>} : memref<4x256xi32, #tpu.memory_space<vmem>>, vector<16xi32>,
    %get3A_609 = arith.constant 3 : i32
    %get3A_610 = arith.index_cast %get3A_609 : i32 to index
    %get3A_611 = arith.constant 32 : index
    %get3A_612 = tpu.vector_load %arg7[%get3A_610, %get3A_611] {strides = array<i32>} : memref<4x256xf32, #tpu.memory_space<vmem>>, vector<16xf32>,
    %add3A_613 = arith.constant 4096 : i32
    %add3A_614 = vector.broadcast %add3A_613 : i32 to vector<16xi32>
    %add3A_615 = arith.addi %add3A_614, %mul3A_5 : vector<16xi32>
    %add3A_616 = arith.addi %add3A_615, %get3A_608 : vector<16xi32>
    tpu.vector_store_idx %arg8[%add3A_616], %get3A_612 : memref<32768xf32, #tpu.memory_space<vmem>>[vector<16xi32>], vector<16xf32>,
    %get3A_617 = arith.constant 3 : i32
    %get3A_618 = arith.index_cast %get3A_617 : i32 to index
    %get3A_619 = arith.constant 48 : index
    %get3A_620 = tpu.vector_load %arg6[%get3A_618, %get3A_619] {strides = array<i32>} : memref<4x256xi32, #tpu.memory_space<vmem>>, vector<16xi32>,
    %get3A_621 = arith.constant 3 : i32
    %get3A_622 = arith.index_cast %get3A_621 : i32 to index
    %get3A_623 = arith.constant 48 : index
    %get3A_624 = tpu.vector_load %arg7[%get3A_622, %get3A_623] {strides = array<i32>} : memref<4x256xf32, #tpu.memory_space<vmem>>, vector<16xf32>,
    %add3A_625 = arith.constant 6144 : i32
    %add3A_626 = vector.broadcast %add3A_625 : i32 to vector<16xi32>
    %add3A_627 = arith.addi %add3A_626, %mul3A_5 : vector<16xi32>
    %add3A_628 = arith.addi %add3A_627, %get3A_620 : vector<16xi32>
    tpu.vector_store_idx %arg8[%add3A_628], %get3A_624 : memref<32768xf32, #tpu.memory_space<vmem>>[vector<16xi32>], vector<16xf32>,
    %get3A_629 = arith.constant 3 : i32
    %get3A_630 = arith.index_cast %get3A_629 : i32 to index
    %get3A_631 = arith.constant 64 : index
    %get3A_632 = tpu.vector_load %arg6[%get3A_630, %get3A_631] {strides = array<i32>} : memref<4x256xi32, #tpu.memory_space<vmem>>, vector<16xi32>,
    %get3A_633 = arith.constant 3 : i32
    %get3A_634 = arith.index_cast %get3A_633 : i32 to index
    %get3A_635 = arith.constant 64 : index
    %get3A_636 = tpu.vector_load %arg7[%get3A_634, %get3A_635] {strides = array<i32>} : memref<4x256xf32, #tpu.memory_space<vmem>>, vector<16xf32>,
    %add3A_637 = arith.constant 8192 : i32
    %add3A_638 = vector.broadcast %add3A_637 : i32 to vector<16xi32>
    %add3A_639 = arith.addi %add3A_638, %mul3A_5 : vector<16xi32>
    %add3A_640 = arith.addi %add3A_639, %get3A_632 : vector<16xi32>
    tpu.vector_store_idx %arg8[%add3A_640], %get3A_636 : memref<32768xf32, #tpu.memory_space<vmem>>[vector<16xi32>], vector<16xf32>,
    %get3A_641 = arith.constant 3 : i32
    %get3A_642 = arith.index_cast %get3A_641 : i32 to index
    %get3A_643 = arith.constant 80 : index
    %get3A_644 = tpu.vector_load %arg6[%get3A_642, %get3A_643] {strides = array<i32>} : memref<4x256xi32, #tpu.memory_space<vmem>>, vector<16xi32>,
    %get3A_645 = arith.constant 3 : i32
    %get3A_646 = arith.index_cast %get3A_645 : i32 to index
    %get3A_647 = arith.constant 80 : index
    %get3A_648 = tpu.vector_load %arg7[%get3A_646, %get3A_647] {strides = array<i32>} : memref<4x256xf32, #tpu.memory_space<vmem>>, vector<16xf32>,
    %add3A_649 = arith.constant 10240 : i32
    %add3A_650 = vector.broadcast %add3A_649 : i32 to vector<16xi32>
    %add3A_651 = arith.addi %add3A_650, %mul3A_5 : vector<16xi32>
    %add3A_652 = arith.addi %add3A_651, %get3A_644 : vector<16xi32>
    tpu.vector_store_idx %arg8[%add3A_652], %get3A_648 : memref<32768xf32, #tpu.memory_space<vmem>>[vector<16xi32>], vector<16xf32>,
    %get3A_653 = arith.constant 3 : i32
    %get3A_654 = arith.index_cast %get3A_653 : i32 to index
    %get3A_655 = arith.constant 96 : index
    %get3A_656 = tpu.vector_load %arg6[%get3A_654, %get3A_655] {strides = array<i32>} : memref<4x256xi32, #tpu.memory_space<vmem>>, vector<16xi32>,
    %get3A_657 = arith.constant 3 : i32
    %get3A_658 = arith.index_cast %get3A_657 : i32 to index
    %get3A_659 = arith.constant 96 : index
    %get3A_660 = tpu.vector_load %arg7[%get3A_658, %get3A_659] {strides = array<i32>} : memref<4x256xf32, #tpu.memory_space<vmem>>, vector<16xf32>,
    %add3A_661 = arith.constant 12288 : i32
    %add3A_662 = vector.broadcast %add3A_661 : i32 to vector<16xi32>
    %add3A_663 = arith.addi %add3A_662, %mul3A_5 : vector<16xi32>
    %add3A_664 = arith.addi %add3A_663, %get3A_656 : vector<16xi32>
    tpu.vector_store_idx %arg8[%add3A_664], %get3A_660 : memref<32768xf32, #tpu.memory_space<vmem>>[vector<16xi32>], vector<16xf32>,
    %get3A_665 = arith.constant 3 : i32
    %get3A_666 = arith.index_cast %get3A_665 : i32 to index
    %get3A_667 = arith.constant 112 : index
    %get3A_668 = tpu.vector_load %arg6[%get3A_666, %get3A_667] {strides = array<i32>} : memref<4x256xi32, #tpu.memory_space<vmem>>, vector<16xi32>,
    %get3A_669 = arith.constant 3 : i32
    %get3A_670 = arith.index_cast %get3A_669 : i32 to index
    %get3A_671 = arith.constant 112 : index
    %get3A_672 = tpu.vector_load %arg7[%get3A_670, %get3A_671] {strides = array<i32>} : memref<4x256xf32, #tpu.memory_space<vmem>>, vector<16xf32>,
    %add3A_673 = arith.constant 14336 : i32
    %add3A_674 = vector.broadcast %add3A_673 : i32 to vector<16xi32>
    %add3A_675 = arith.addi %add3A_674, %mul3A_5 : vector<16xi32>
    %add3A_676 = arith.addi %add3A_675, %get3A_668 : vector<16xi32>
    tpu.vector_store_idx %arg8[%add3A_676], %get3A_672 : memref<32768xf32, #tpu.memory_space<vmem>>[vector<16xi32>], vector<16xf32>,
    %get3A_677 = arith.constant 3 : i32
    %get3A_678 = arith.index_cast %get3A_677 : i32 to index
    %get3A_679 = arith.constant 128 : index
    %get3A_680 = tpu.vector_load %arg6[%get3A_678, %get3A_679] {strides = array<i32>} : memref<4x256xi32, #tpu.memory_space<vmem>>, vector<16xi32>,
    %get3A_681 = arith.constant 3 : i32
    %get3A_682 = arith.index_cast %get3A_681 : i32 to index
    %get3A_683 = arith.constant 128 : index
    %get3A_684 = tpu.vector_load %arg7[%get3A_682, %get3A_683] {strides = array<i32>} : memref<4x256xf32, #tpu.memory_space<vmem>>, vector<16xf32>,
    %add3A_685 = arith.constant 16384 : i32
    %add3A_686 = vector.broadcast %add3A_685 : i32 to vector<16xi32>
    %add3A_687 = arith.addi %add3A_686, %mul3A_5 : vector<16xi32>
    %add3A_688 = arith.addi %add3A_687, %get3A_680 : vector<16xi32>
    tpu.vector_store_idx %arg8[%add3A_688], %get3A_684 : memref<32768xf32, #tpu.memory_space<vmem>>[vector<16xi32>], vector<16xf32>,
    %get3A_689 = arith.constant 3 : i32
    %get3A_690 = arith.index_cast %get3A_689 : i32 to index
    %get3A_691 = arith.constant 144 : index
    %get3A_692 = tpu.vector_load %arg6[%get3A_690, %get3A_691] {strides = array<i32>} : memref<4x256xi32, #tpu.memory_space<vmem>>, vector<16xi32>,
    %get3A_693 = arith.constant 3 : i32
    %get3A_694 = arith.index_cast %get3A_693 : i32 to index
    %get3A_695 = arith.constant 144 : index
    %get3A_696 = tpu.vector_load %arg7[%get3A_694, %get3A_695] {strides = array<i32>} : memref<4x256xf32, #tpu.memory_space<vmem>>, vector<16xf32>,
    %add3A_697 = arith.constant 18432 : i32
    %add3A_698 = vector.broadcast %add3A_697 : i32 to vector<16xi32>
    %add3A_699 = arith.addi %add3A_698, %mul3A_5 : vector<16xi32>
    %add3A_700 = arith.addi %add3A_699, %get3A_692 : vector<16xi32>
    tpu.vector_store_idx %arg8[%add3A_700], %get3A_696 : memref<32768xf32, #tpu.memory_space<vmem>>[vector<16xi32>], vector<16xf32>,
    %get3A_701 = arith.constant 3 : i32
    %get3A_702 = arith.index_cast %get3A_701 : i32 to index
    %get3A_703 = arith.constant 160 : index
    %get3A_704 = tpu.vector_load %arg6[%get3A_702, %get3A_703] {strides = array<i32>} : memref<4x256xi32, #tpu.memory_space<vmem>>, vector<16xi32>,
    %get3A_705 = arith.constant 3 : i32
    %get3A_706 = arith.index_cast %get3A_705 : i32 to index
    %get3A_707 = arith.constant 160 : index
    %get3A_708 = tpu.vector_load %arg7[%get3A_706, %get3A_707] {strides = array<i32>} : memref<4x256xf32, #tpu.memory_space<vmem>>, vector<16xf32>,
    %add3A_709 = arith.constant 20480 : i32
    %add3A_710 = vector.broadcast %add3A_709 : i32 to vector<16xi32>
    %add3A_711 = arith.addi %add3A_710, %mul3A_5 : vector<16xi32>
    %add3A_712 = arith.addi %add3A_711, %get3A_704 : vector<16xi32>
    tpu.vector_store_idx %arg8[%add3A_712], %get3A_708 : memref<32768xf32, #tpu.memory_space<vmem>>[vector<16xi32>], vector<16xf32>,
    %get3A_713 = arith.constant 3 : i32
    %get3A_714 = arith.index_cast %get3A_713 : i32 to index
    %get3A_715 = arith.constant 176 : index
    %get3A_716 = tpu.vector_load %arg6[%get3A_714, %get3A_715] {strides = array<i32>} : memref<4x256xi32, #tpu.memory_space<vmem>>, vector<16xi32>,
    %get3A_717 = arith.constant 3 : i32
    %get3A_718 = arith.index_cast %get3A_717 : i32 to index
    %get3A_719 = arith.constant 176 : index
    %get3A_720 = tpu.vector_load %arg7[%get3A_718, %get3A_719] {strides = array<i32>} : memref<4x256xf32, #tpu.memory_space<vmem>>, vector<16xf32>,
    %add3A_721 = arith.constant 22528 : i32
    %add3A_722 = vector.broadcast %add3A_721 : i32 to vector<16xi32>
    %add3A_723 = arith.addi %add3A_722, %mul3A_5 : vector<16xi32>
    %add3A_724 = arith.addi %add3A_723, %get3A_716 : vector<16xi32>
    tpu.vector_store_idx %arg8[%add3A_724], %get3A_720 : memref<32768xf32, #tpu.memory_space<vmem>>[vector<16xi32>], vector<16xf32>,
    %get3A_725 = arith.constant 3 : i32
    %get3A_726 = arith.index_cast %get3A_725 : i32 to index
    %get3A_727 = arith.constant 192 : index
    %get3A_728 = tpu.vector_load %arg6[%get3A_726, %get3A_727] {strides = array<i32>} : memref<4x256xi32, #tpu.memory_space<vmem>>, vector<16xi32>,
    %get3A_729 = arith.constant 3 : i32
    %get3A_730 = arith.index_cast %get3A_729 : i32 to index
    %get3A_731 = arith.constant 192 : index
    %get3A_732 = tpu.vector_load %arg7[%get3A_730, %get3A_731] {strides = array<i32>} : memref<4x256xf32, #tpu.memory_space<vmem>>, vector<16xf32>,
    %add3A_733 = arith.constant 24576 : i32
    %add3A_734 = vector.broadcast %add3A_733 : i32 to vector<16xi32>
    %add3A_735 = arith.addi %add3A_734, %mul3A_5 : vector<16xi32>
    %add3A_736 = arith.addi %add3A_735, %get3A_728 : vector<16xi32>
    tpu.vector_store_idx %arg8[%add3A_736], %get3A_732 : memref<32768xf32, #tpu.memory_space<vmem>>[vector<16xi32>], vector<16xf32>,
    %get3A_737 = arith.constant 3 : i32
    %get3A_738 = arith.index_cast %get3A_737 : i32 to index
    %get3A_739 = arith.constant 208 : index
    %get3A_740 = tpu.vector_load %arg6[%get3A_738, %get3A_739] {strides = array<i32>} : memref<4x256xi32, #tpu.memory_space<vmem>>, vector<16xi32>,
    %get3A_741 = arith.constant 3 : i32
    %get3A_742 = arith.index_cast %get3A_741 : i32 to index
    %get3A_743 = arith.constant 208 : index
    %get3A_744 = tpu.vector_load %arg7[%get3A_742, %get3A_743] {strides = array<i32>} : memref<4x256xf32, #tpu.memory_space<vmem>>, vector<16xf32>,
    %add3A_745 = arith.constant 26624 : i32
    %add3A_746 = vector.broadcast %add3A_745 : i32 to vector<16xi32>
    %add3A_747 = arith.addi %add3A_746, %mul3A_5 : vector<16xi32>
    %add3A_748 = arith.addi %add3A_747, %get3A_740 : vector<16xi32>
    tpu.vector_store_idx %arg8[%add3A_748], %get3A_744 : memref<32768xf32, #tpu.memory_space<vmem>>[vector<16xi32>], vector<16xf32>,
    %get3A_749 = arith.constant 3 : i32
    %get3A_750 = arith.index_cast %get3A_749 : i32 to index
    %get3A_751 = arith.constant 224 : index
    %get3A_752 = tpu.vector_load %arg6[%get3A_750, %get3A_751] {strides = array<i32>} : memref<4x256xi32, #tpu.memory_space<vmem>>, vector<16xi32>,
    %get3A_753 = arith.constant 3 : i32
    %get3A_754 = arith.index_cast %get3A_753 : i32 to index
    %get3A_755 = arith.constant 224 : index
    %get3A_756 = tpu.vector_load %arg7[%get3A_754, %get3A_755] {strides = array<i32>} : memref<4x256xf32, #tpu.memory_space<vmem>>, vector<16xf32>,
    %add3A_757 = arith.constant 28672 : i32
    %add3A_758 = vector.broadcast %add3A_757 : i32 to vector<16xi32>
    %add3A_759 = arith.addi %add3A_758, %mul3A_5 : vector<16xi32>
    %add3A_760 = arith.addi %add3A_759, %get3A_752 : vector<16xi32>
    tpu.vector_store_idx %arg8[%add3A_760], %get3A_756 : memref<32768xf32, #tpu.memory_space<vmem>>[vector<16xi32>], vector<16xf32>,
    %get3A_761 = arith.constant 3 : i32
    %get3A_762 = arith.index_cast %get3A_761 : i32 to index
    %get3A_763 = arith.constant 240 : index
    %get3A_764 = tpu.vector_load %arg6[%get3A_762, %get3A_763] {strides = array<i32>} : memref<4x256xi32, #tpu.memory_space<vmem>>, vector<16xi32>,
    %get3A_765 = arith.constant 3 : i32
    %get3A_766 = arith.index_cast %get3A_765 : i32 to index
    %get3A_767 = arith.constant 240 : index
    %get3A_768 = tpu.vector_load %arg7[%get3A_766, %get3A_767] {strides = array<i32>} : memref<4x256xf32, #tpu.memory_space<vmem>>, vector<16xf32>,
    %add3A_769 = arith.constant 30720 : i32
    %add3A_770 = vector.broadcast %add3A_769 : i32 to vector<16xi32>
    %add3A_771 = arith.addi %add3A_770, %mul3A_5 : vector<16xi32>
    %add3A_772 = arith.addi %add3A_771, %get3A_764 : vector<16xi32>
    tpu.vector_store_idx %arg8[%add3A_772], %get3A_768 : memref<32768xf32, #tpu.memory_space<vmem>>[vector<16xi32>], vector<16xf32>,
    "tpu.region"() ({
      %run_scoped3A = tpu.sem_alloc : memref<!tpu.dma_semaphore, #tpu.memory_space<semaphore_mem>>
      %dma_start3A = arith.constant 0 : i32
      %dma_start3A_773 = tpu.memref_slice %arg5[%add3A, %dma_start3A] : memref<32x32768xf32, #tpu.memory_space<hbm>> -> memref<1x32768xf32, #tpu.memory_space<hbm>>
      %dma_start3A_774 = tpu.memref_squeeze %dma_start3A_773 : memref<1x32768xf32, #tpu.memory_space<hbm>> -> memref<32768xf32, #tpu.memory_space<hbm>>
      %dma_start3A_775 = arith.constant 0 : i32
      %dma_start3A_776 = tpu.memref_slice %arg5[%add3A, %dma_start3A_775] : memref<32x32768xf32, #tpu.memory_space<hbm>> -> memref<1x32768xf32, #tpu.memory_space<hbm>>
      %dma_start3A_777 = tpu.memref_squeeze %dma_start3A_776 : memref<1x32768xf32, #tpu.memory_space<hbm>> -> memref<32768xf32, #tpu.memory_space<hbm>>
      tpu.enqueue_dma source(%arg8 : memref<32768xf32, #tpu.memory_space<vmem>>) target(%dma_start3A_777 : memref<32768xf32, #tpu.memory_space<hbm>>) target_semaphore(%run_scoped3A : memref<!tpu.dma_semaphore, #tpu.memory_space<semaphore_mem>>)
      %dma_wait3A = arith.constant 0 : i32
      %dma_wait3A_778 = tpu.memref_slice %arg5[%add3A, %dma_wait3A] : memref<32x32768xf32, #tpu.memory_space<hbm>> -> memref<1x32768xf32, #tpu.memory_space<hbm>>
      %dma_wait3A_779 = tpu.memref_squeeze %dma_wait3A_778 : memref<1x32768xf32, #tpu.memory_space<hbm>> -> memref<32768xf32, #tpu.memory_space<hbm>>
      %dma_wait3A_780 = arith.constant 0 : i32
      %dma_wait3A_781 = tpu.memref_slice %arg5[%add3A, %dma_wait3A_780] : memref<32x32768xf32, #tpu.memory_space<hbm>> -> memref<1x32768xf32, #tpu.memory_space<hbm>>
      %dma_wait3A_782 = tpu.memref_squeeze %dma_wait3A_781 : memref<1x32768xf32, #tpu.memory_space<hbm>> -> memref<32768xf32, #tpu.memory_space<hbm>>
      tpu.wait_dma2 semaphore(%run_scoped3A : memref<!tpu.dma_semaphore, #tpu.memory_space<semaphore_mem>>) src(%arg8 : memref<32768xf32, #tpu.memory_space<vmem>>) dst(%dma_wait3A_782 : memref<32768xf32, #tpu.memory_space<hbm>>)
      tpu.yield
    }) : () -> ()
    return
  }
}

module attributes {stable_mosaic.version = 14 : i64} {
  func.func @_mlp_body(%arg0: i32, %arg1: memref<8x128x256xf32, #tpu.memory_space<vmem>>, %arg2: memref<256x256xf32, #tpu.memory_space<vmem>>, %arg3: memref<1x256xf32, #tpu.memory_space<vmem>>, %arg4: memref<256x78xf32, #tpu.memory_space<vmem>>, %arg5: memref<1x78xf32, #tpu.memory_space<vmem>>, %arg6: memref<8x128x78xbf16, #tpu.memory_space<vmem>>) attributes {dimension_semantics = [#tpu.dimension_semantics<parallel>], iteration_bounds = array<i64: 4>, scalar_prefetch = 0 : i64, scratch_operands = 0 : i64, tpu.core_type = #tpu.core_type<tc>, window_params = [{transform_indices = @transform_0, window_bounds = array<i64: 8, 128, 256>}, {pipeline_mode = #tpu.pipeline_mode<synchronous>, transform_indices = @transform_1, window_bounds = array<i64: 256, 256>}, {pipeline_mode = #tpu.pipeline_mode<synchronous>, transform_indices = @transform_2, window_bounds = array<i64: 1, 256>}, {pipeline_mode = #tpu.pipeline_mode<synchronous>, transform_indices = @transform_3, window_bounds = array<i64: 256, 78>}, {pipeline_mode = #tpu.pipeline_mode<synchronous>, transform_indices = @transform_4, window_bounds = array<i64: 1, 78>}, {transform_indices = @transform_5, window_bounds = array<i64: 8, 128, 78>}]} {
    %get3A = arith.constant 0 : index
    %get3A_0 = arith.constant 0 : index
    %get3A_1 = arith.constant 0 : index
    %get3A_2 = vector.load %arg1[%get3A, %get3A_0, %get3A_1] : memref<8x128x256xf32, #tpu.memory_space<vmem>>, vector<8x128x256xf32>
    %reshape3A = vector.shape_cast %get3A_2 : vector<8x128x256xf32> to vector<1024x256xf32>
    %get3A_3 = arith.constant 0 : index
    %get3A_4 = arith.constant 0 : index
    %get3A_5 = vector.load %arg2[%get3A_3, %get3A_4] : memref<256x256xf32, #tpu.memory_space<vmem>>, vector<256x256xf32>
    %dot_general3A = arith.constant dense<0.000000e+00> : vector<1024x256xf32>
    %dot_general3A_6 = tpu.matmul %reshape3A, %get3A_5, %dot_general3A {dimension_numbers = #tpu.dot_dimension_numbers<[1], [0], [0], [1], [0, 0, 1, 1], [], []>, transpose_lhs_hint = false} : vector<1024x256xf32>, vector<256x256xf32>, vector<1024x256xf32> -> vector<1024x256xf32>
    %get3A_7 = arith.constant 0 : index
    %get3A_8 = arith.constant 0 : index
    %get3A_9 = vector.load %arg3[%get3A_7, %get3A_8] : memref<1x256xf32, #tpu.memory_space<vmem>>, vector<1x256xf32>
    %add3A = vector.broadcast %get3A_9 : vector<1x256xf32> to vector<1024x256xf32>
    %add3A_10 = arith.addf %dot_general3A_6, %add3A : vector<1024x256xf32>
    %max3A = arith.constant 0.000000e+00 : f32
    %max3A_11 = vector.broadcast %max3A : f32 to vector<1024x256xf32>
    %max3A_12 = arith.maximumf %add3A_10, %max3A_11 : vector<1024x256xf32>
    %get3A_13 = arith.constant 0 : index
    %get3A_14 = arith.constant 0 : index
    %get3A_15 = vector.load %arg4[%get3A_13, %get3A_14] : memref<256x78xf32, #tpu.memory_space<vmem>>, vector<256x78xf32>
    %dot_general3A_16 = arith.constant dense<0.000000e+00> : vector<1024x78xf32>
    %dot_general3A_17 = tpu.matmul %max3A_12, %get3A_15, %dot_general3A_16 {dimension_numbers = #tpu.dot_dimension_numbers<[1], [0], [0], [1], [0, 0, 1, 1], [], []>, transpose_lhs_hint = false} : vector<1024x256xf32>, vector<256x78xf32>, vector<1024x78xf32> -> vector<1024x78xf32>
    %get3A_18 = arith.constant 0 : index
    %get3A_19 = arith.constant 0 : index
    %get3A_20 = vector.load %arg5[%get3A_18, %get3A_19] : memref<1x78xf32, #tpu.memory_space<vmem>>, vector<1x78xf32>
    %add3A_21 = vector.broadcast %get3A_20 : vector<1x78xf32> to vector<1024x78xf32>
    %add3A_22 = arith.addf %dot_general3A_17, %add3A_21 : vector<1024x78xf32>
    %reshape3A_23 = vector.shape_cast %add3A_22 : vector<1024x78xf32> to vector<8x128x78xf32>
    %convert_element_type3A = arith.truncf %reshape3A_23 : vector<8x128x78xf32> to vector<8x128x78xbf16>
    %swap3A = arith.constant 0 : index
    %swap3A_24 = arith.constant 0 : index
    %swap3A_25 = arith.constant 0 : index
    %swap3A_26 = vector.load %arg6[%swap3A, %swap3A_24, %swap3A_25] : memref<8x128x78xbf16, #tpu.memory_space<vmem>>, vector<8x128x78xbf16>
    tpu.vector_store %arg6[%swap3A, %swap3A_24, %swap3A_25], %convert_element_type3A {strides = array<i32>} : memref<8x128x78xbf16, #tpu.memory_space<vmem>>, vector<8x128x78xbf16>,
    return
  }
  func.func @transform_0(%arg0: i32) -> (i32, i32, i32) {
    %c0_i32 = arith.constant 0 : i32
    %c0_i32_0 = arith.constant 0 : i32
    %c0_i32_1 = arith.constant 0 : i32
    return %arg0, %c0_i32, %c0_i32_0 : i32, i32, i32
  }
  func.func @transform_1(%arg0: i32) -> (i32, i32) {
    %c0_i32 = arith.constant 0 : i32
    %c0_i32_0 = arith.constant 0 : i32
    %c0_i32_1 = arith.constant 0 : i32
    return %c0_i32, %c0_i32_0 : i32, i32
  }
  func.func @transform_2(%arg0: i32) -> (i32, i32) {
    %c0_i32 = arith.constant 0 : i32
    %c0_i32_0 = arith.constant 0 : i32
    %c0_i32_1 = arith.constant 0 : i32
    return %c0_i32, %c0_i32_0 : i32, i32
  }
  func.func @transform_3(%arg0: i32) -> (i32, i32) {
    %c0_i32 = arith.constant 0 : i32
    %c0_i32_0 = arith.constant 0 : i32
    %c0_i32_1 = arith.constant 0 : i32
    return %c0_i32, %c0_i32_0 : i32, i32
  }
  func.func @transform_4(%arg0: i32) -> (i32, i32) {
    %c0_i32 = arith.constant 0 : i32
    %c0_i32_0 = arith.constant 0 : i32
    %c0_i32_1 = arith.constant 0 : i32
    return %c0_i32, %c0_i32_0 : i32, i32
  }
  func.func @transform_5(%arg0: i32) -> (i32, i32, i32) {
    %c0_i32 = arith.constant 0 : i32
    %c0_i32_0 = arith.constant 0 : i32
    %c0_i32_1 = arith.constant 0 : i32
    return %arg0, %c0_i32, %c0_i32_0 : i32, i32, i32
  }
}

module attributes {stable_mosaic.version = 14 : i64} {
  func.func @_interp_body(%arg0: i32, %arg1: memref<8192x128xf32, #tpu.memory_space<vmem>>, %arg2: memref<1x128x78xbf16, #tpu.memory_space<vmem>>, %arg3: memref<1x64x128x78xf32, #tpu.memory_space<vmem>>, %arg4: memref<8192x128xbf16, #tpu.memory_space<vmem>>) attributes {dimension_semantics = [#tpu.dimension_semantics<arbitrary>], iteration_bounds = array<i64: 32>, scalar_prefetch = 0 : i64, scratch_operands = 1 : i64, tpu.core_type = #tpu.core_type<tc>, window_params = [{pipeline_mode = #tpu.pipeline_mode<synchronous>, transform_indices = @transform_0, window_bounds = array<i64: 8192, 128>}, {transform_indices = @transform_1, window_bounds = array<i64: 1, 128, 78>}, {transform_indices = @transform_2, window_bounds = array<i64: 1, 64, 128, 78>}]} {
    %eq3A = arith.constant 0 : i32
    %eq3A_0 = arith.cmpi eq, %arg0, %eq3A : i32
    %convert_element_type3A = arith.extui %eq3A_0 : i1 to i32
    %cond3A = arith.constant 0 : i32
    %cond3A_1 = arith.cmpi ne, %convert_element_type3A, %cond3A : i32
    scf.if %cond3A_1 {
      %get3A_14 = arith.constant 0 : index
      %get3A_15 = arith.constant 0 : index
      %get3A_16 = vector.load %arg1[%get3A_14, %get3A_15] : memref<8192x128xf32, #tpu.memory_space<vmem>>, vector<8192x128xf32>
      %convert_element_type3A_17 = arith.truncf %get3A_16 : vector<8192x128xf32> to vector<8192x128xbf16>
      %swap3A_18 = arith.constant 0 : index
      %swap3A_19 = arith.constant 0 : index
      %swap3A_20 = vector.load %arg4[%swap3A_18, %swap3A_19] : memref<8192x128xbf16, #tpu.memory_space<vmem>>, vector<8192x128xbf16>
      tpu.vector_store %arg4[%swap3A_18, %swap3A_19], %convert_element_type3A_17 {strides = array<i32>} : memref<8192x128xbf16, #tpu.memory_space<vmem>>, vector<8192x128xbf16>,
    } else {
    }
    %get3A = arith.constant 0 : index
    %get3A_2 = arith.constant 0 : index
    %get3A_3 = vector.load %arg4[%get3A, %get3A_2] : memref<8192x128xbf16, #tpu.memory_space<vmem>>, vector<8192x128xbf16>
    %get3A_4 = arith.constant 0 : index
    %get3A_5 = arith.constant 0 : index
    %get3A_6 = arith.constant 0 : index
    %get3A_7 = vector.load %arg2[%get3A_4, %get3A_5, %get3A_6] : memref<1x128x78xbf16, #tpu.memory_space<vmem>>, vector<1x128x78xbf16>
    %get3A_8 = vector.shape_cast %get3A_7 : vector<1x128x78xbf16> to vector<128x78xbf16>
    %dot_general3A = arith.constant dense<0.000000e+00> : vector<8192x78xf32>
    %dot_general3A_9 = tpu.matmul %get3A_3, %get3A_8, %dot_general3A {dimension_numbers = #tpu.dot_dimension_numbers<[1], [0], [0], [1], [0, 0, 1, 1], [], []>, transpose_lhs_hint = false} : vector<8192x128xbf16>, vector<128x78xbf16>, vector<8192x78xf32> -> vector<8192x78xf32>
    %reshape3A = vector.shape_cast %dot_general3A_9 : vector<8192x78xf32> to vector<1x64x128x78xf32>
    %swap3A = arith.constant 0 : index
    %swap3A_10 = arith.constant 0 : index
    %swap3A_11 = arith.constant 0 : index
    %swap3A_12 = arith.constant 0 : index
    %swap3A_13 = vector.load %arg3[%swap3A, %swap3A_10, %swap3A_11, %swap3A_12] : memref<1x64x128x78xf32, #tpu.memory_space<vmem>>, vector<1x64x128x78xf32>
    tpu.vector_store %arg3[%swap3A, %swap3A_10, %swap3A_11, %swap3A_12], %reshape3A {strides = array<i32>} : memref<1x64x128x78xf32, #tpu.memory_space<vmem>>, vector<1x64x128x78xf32>,
    return
  }
  func.func @transform_0(%arg0: i32) -> (i32, i32) {
    %c0_i32 = arith.constant 0 : i32
    %c0_i32_0 = arith.constant 0 : i32
    %c0_i32_1 = arith.constant 0 : i32
    return %c0_i32, %c0_i32_0 : i32, i32
  }
  func.func @transform_1(%arg0: i32) -> (i32, i32, i32) {
    %c0_i32 = arith.constant 0 : i32
    %c0_i32_0 = arith.constant 0 : i32
    %c0_i32_1 = arith.constant 0 : i32
    return %arg0, %c0_i32, %c0_i32_0 : i32, i32, i32
  }
  func.func @transform_2(%arg0: i32) -> (i32, i32, i32, i32) {
    %c0_i32 = arith.constant 0 : i32
    %c0_i32_0 = arith.constant 0 : i32
    %c0_i32_1 = arith.constant 0 : i32
    %c0_i32_2 = arith.constant 0 : i32
    return %arg0, %c0_i32, %c0_i32_0, %c0_i32_1 : i32, i32, i32, i32
  }
}

</mosaic_0001>

<sc_bundles>
// kernel: kernel.5.cloned.1.call-start
scs
__scs_entry_jumppad:
0x0: {  	(pc) =	sbr.rel $0x88, $3  }
0x1: {  	(tag) =	ssettag $0x0;
	lr =	simm.s32 $0x1  }
0x2: {  	[smem:$0x3F9A] =	sst lr;
	_ =	strace $0xD0000000  }
0x3: {  	_ = 	snop  }
0x4: {  	_ = 	snop  }
0x5: {  	_ = 	snop  }
0x6: {  	_ = 	snop  }
0x7: {  	_ = 	snop  }
__scs_overlays_trampoline_lowered:
0x8: {  	[smem:$0x3FA9] =	sst s0  }
0x9: {  	[smem:$0x3FAA] =	sst s1  }
0xa: {  	[smem:$0x3FAB] =	sst s2  }
0xb: {  	[smem:$0x3FAC] =	sst s3  }
0xc: {  	[smem:$0x3FAD] =	sst s4  }
0xd: {  	[smem:$0x3FAE] =	sst s5  }
0xe: {  	[smem:$0x3FAF] =	sst s6  }
0xf: {  	[smem:$0x3FB0] =	sst s7  }
0x10: {  	[smem:$0x3FB1] =	sst s8  }
0x11: {  	[smem:$0x3FB2] =	sst s9;
	s0 =	simm.s32 @!p0 $0x0  }
0x12: {  	s1 =	sld [smem:$0x3F98];
	s0 =	simm.s32 @p0 $0x1  }
0x13: {  	[smem:$0x3FB3] =	sst s0;
	s0 =	simm.s32 @!p1 $0x0  }
0x14: {  	s2 =	sld [smem:$0x3F97];
	s0 =	simm.s32 @p1 $0x1  }
0x15: {  	[smem:$0x3FB4] =	sst s0;
	s0 =	simm.s32 @!p2 $0x0  }
0x16: {  	s3 =	sld [smem:$0x3FDB];
	s0 =	simm.s32 @p2 $0x1  }
0x17: {  	s4 =	simm.s32 $0x1BF5;
	[smem:$0x3FB6] =	sst s0  }
0x18: {  	s0 =	sld [smem:$0x3F99];
	_ =	swait.ge [sflag:s4], $0x0  }
0x19: {  	s7 =	sld [smem:$0x3F9A]  }
0x1a: {  	s8 =	sadd.s32 $0xFFFFE003, lr  }
0x1b: {  	s9 =	sadd.s32 $0xFFFFFEF7, lr;
	s5 =	simm.s32 $0xFFFFFFFF;
	p2 =	slt.u32 s8, $0xFFFFF086  }
0x1c: {  	p1 =	slt.u32 s9, $0xF7A;
	s5 =	simm.s32 @!p2 $0x0  }
0x1d: {  	s5 =	simm.s32 @p1 $0x1;
	p0 =	seq.s32 s7, s2  }
0x1e: {  	s7 =	smul.u32 @!p0 $0xF7A, s2;
	p2 =	seq.s32 @!p0 s5, $0x0  }
0x1f: {  	s9 =	smul.u32 $0xF7A, s1;
	s8 =	simm.s32 @!p0 $0x1BF5;
	p2 =	por !p2, p0  }
0x20: {  	[sflag:s8] =	ssyncset.s32 @!p0 $0xFFFFF086;
	s6 =	sadd.s32 @!p0 s3, s7;
	s7 =	simm.s32 @!p0 $0x108  }
0x21: {  	s3 =	sadd.s32 s3, s9;
	s6 =	sadd.s32 @!p0 $0x88, s6;
	s7 =	simm.s32 @p2 $0x1082  }
0x22: {  	[simem:s7], [sflag:s8] =	dma.local @!p0 [hbm:s6], $0xF7A  }
0x23: {  	s9 =	sor.u32 $0xD0000000, s2;
	s6 =	simm.s32 $0x108;
	_ =	swait.ge @!p0 [sflag:s8], $0x0  }
0x24: {  	s3 =	sadd.s32 $0x88, s3;
	s6 =	simm.s32 @!p1 $0x1082;
	[sflag:s4] =	ssyncset.s32 $0xFFFFF086  }
0x25: {  	[simem:s6], [sflag:s4] =	dma.local [hbm:s3], $0xF7A  }
0x26: {  	[smem:$0x3F9A] =	sst s1;
	(tag) =	ssettag s2;
	_ =	strace s9  }
0x27: {  	s1 =	sld [smem:$0x3FAA]  }
0x28: {  	s2 =	sld [smem:$0x3FAB]  }
0x29: {  	s4 =	sld [smem:$0x3FAD]  }
0x2a: {  	p0 =	seq.s32 s5, $0x0;
	s5 =	sld [smem:$0x3FAE]  }
0x2b: {  	s6 =	sld [smem:$0x3FAF]  }
0x2c: {  	s7 =	sld [smem:$0x3FB0]  }
0x2d: {  	s3 =	simm.s32 $0x108;
	s8 =	sld [smem:$0x3FB1]  }
0x2e: {  	s3 =	simm.s32 @!p0 $0x1082;
	s9 =	sld [smem:$0x3FB2]  }
0x2f: {  	lr =	sadd.s32 s0, s3;
	s0 =	sld [smem:$0x3FA9]  }
0x30: {  	s3 =	sld [smem:$0x3FAC]  }
0x31: {  	[smem:$0x3FB5] =	sst s10  }
0x32: {  	s10 =	sld [smem:$0x3FB3];
	_ =	sdelay $0x3  }
0x33: {  	p0 =	seq.s32 s10, $0x1;
	s10 =	sld [smem:$0x3FB5];
	_ =	sdelay $0x3  }
0x34: {  	[smem:$0x3FB5] =	sst s10  }
0x35: {  	s10 =	sld [smem:$0x3FB4];
	_ =	sdelay $0x3  }
0x36: {  	p1 =	seq.s32 s10, $0x1;
	s10 =	sld [smem:$0x3FB5];
	_ =	sdelay $0x3  }
0x37: {  	[smem:$0x3FB5] =	sst s10  }
0x38: {  	s10 =	sld [smem:$0x3FB6]  }
0x39: {  	_ = 	snop;
	(pc) =	sbr.ind lr, $3  }
0x3a: {  	_ = 	snop  }
0x3b: {  	_ = 	snop  }
0x3c: {  	p2 =	seq.s32 s10, $0x1;
	s10 =	sld [smem:$0x3FB5]  }
0x3d: {  	_ =	shalt  }
0x3e: {  	_ =	shalt  }
0x3f: {  	_ =	shalt  }
0x40: {  	_ =	shalt  }
0x41: {  	_ =	shalt  }
0x42: {  	_ =	shalt  }
0x43: {  	_ =	shalt  }
0x44: {  	_ =	shalt  }
0x45: {  	_ =	shalt  }
0x46: {  	_ =	shalt  }
0x47: {  	_ =	shalt  }
0x48: {  	_ =	shalt  }
0x49: {  	_ =	shalt  }
0x4a: {  	_ =	shalt  }
0x4b: {  	_ =	shalt  }
0x4c: {  	_ =	shalt  }
0x4d: {  	_ =	shalt  }
0x4e: {  	_ =	shalt  }
0x4f: {  	_ =	shalt  }
0x50: {  	_ =	shalt  }
0x51: {  	_ =	shalt  }
0x52: {  	_ =	shalt  }
0x53: {  	_ =	shalt  }
0x54: {  	_ =	shalt  }
0x55: {  	_ =	shalt  }
0x56: {  	_ =	shalt  }
0x57: {  	_ =	shalt  }
0x58: {  	_ =	shalt  }
0x59: {  	_ =	shalt  }
0x5a: {  	_ =	shalt  }
0x5b: {  	_ =	shalt  }
0x5c: {  	_ =	shalt  }
0x5d: {  	_ =	shalt  }
0x5e: {  	_ =	shalt  }
0x5f: {  	_ =	shalt  }
0x60: {  	_ =	shalt  }
0x61: {  	_ =	shalt  }
0x62: {  	_ =	shalt  }
0x63: {  	_ =	shalt  }
0x64: {  	_ =	shalt  }
0x65: {  	_ =	shalt  }
0x66: {  	_ =	shalt  }
0x67: {  	_ =	shalt  }
0x68: {  	_ =	shalt  }
0x69: {  	_ =	shalt  }
0x6a: {  	_ =	shalt  }
0x6b: {  	_ =	shalt  }
0x6c: {  	_ =	shalt  }
0x6d: {  	_ =	shalt  }
0x6e: {  	_ =	shalt  }
0x6f: {  	_ =	shalt  }
0x70: {  	_ =	shalt  }
0x71: {  	_ =	shalt  }
0x72: {  	_ =	shalt  }
0x73: {  	_ =	shalt  }
0x74: {  	_ =	shalt  }
0x75: {  	_ =	shalt  }
0x76: {  	_ =	shalt  }
0x77: {  	_ =	shalt  }
0x78: {  	_ =	shalt  }
0x79: {  	_ =	shalt  }
0x7a: {  	_ =	shalt  }
0x7b: {  	_ =	shalt  }
0x7c: {  	_ =	shalt  }
0x7d: {  	_ =	shalt  }
0x7e: {  	_ =	shalt  }
0x7f: {  	_ =	shalt  }
0x80: {  	_ =	shalt  }
0x81: {  	_ =	shalt  }
0x82: {  	_ =	shalt  }
0x83: {  	_ =	shalt  }
0x84: {  	_ =	shalt  }
0x85: {  	_ =	shalt  }
0x86: {  	_ =	shalt  }
0x87: {  	_ =	shalt  }
.Lfunc_end0:
.L_simem_size_0:
called_computation_lowered:
.L_overlay_start_0:
0x88: {  	s2 =	sld [smem:$0x3FD9]  }
0x89: {  	s3 =	sld [smem:$0x3FFE];
	_ =	sdelay $0x1  }
0x8a: {  	s1 =	srdreg.scid  }
0x8b: {  	s0 =	sand.u32 $0x1, s1  }
0x8c: {  	s17 =	sshll.u32 s0, $0xA;
	s2 =	sadd.s32 s3, s2  }
0x8d: {  	s2 =	sadd.s32 s2, s17  }
0x8e: {  	[smem:$0x3FC1] =	sst s2  }
0x8f: {  	_ = 	snop  }
0x90: {  	s2 =	sld [smem:$0x3FC4]  }
0x91: {  	s18 =	sld [smem:$0x3FC3]  }
0x92: {  	s4 =	sld [smem:$0x3FD0];
	(tm) =	ssettm $0x1  }
0x93: {  	s5 =	sld [smem:$0x3FFB];
	_ =	sdelay $0x3  }
0x94: {  	_ =	strace s5  }
0x95: {  	s5 =	sld [smem:$0x3FFC];
	_ =	sdelay $0x3  }
0x96: {  	_ =	strace s5  }
0x97: {  	s5 =	sld [smem:$0x3FFD];
	_ =	sdelay $0x3  }
0x98: {  	_ =	strace s5  }
0x99: {  	_ =	strace $0x8FFFFFFF  }
0x9a: {  	s19 =	sld [smem:$0x3FDB];
	_ =	sdelay $0x1  }
0x9b: {  	s6 =	simm.s32 $_scs_section_size  }
0x9c: {  	s7 =	simm.s32 $_size__tile_overlayer_lowered;
	s8 =	simm.s32 $_tile_overlayer_lowered  }
0x9d: {  	s22 =	simm.s32 $0x1BFF;
	s21 =	sshll.u32 s8, $0x1;
	s5 =	sadd.s32 s6, s19  }
0x9e: {  	s9 =	simm.s32 $0x0;
	s20 =	sshll.u32 s7, $0x1;
	s7 =	sadd.s32 s21, s5  }
0x9f: {  	[timem:s9], [sflag:s22] =	dma.local [hbm:s7], s20  }
0xa0: {  	_ =	swait.ge [sflag:s22], s20  }
0xa1: {  	s6 =	ssub.s32 $0x0, s20;
	[sflag:s22] =	ssyncset.done $0x0  }
0xa2: {  	[sflag:s22] =	ssyncadd.s32 s6;
	_ =	sdelay $0x1  }
0xa3: {  	s23 =	simm.s32 $0x1B8B  }
0xa4: {  	_ =	swait.ge [sflag:s23], $0x1  }
0xa5: {  	[sflag:s23] =	ssyncset.done $0x0  }
0xa6: {  	s25 =	simm.s32 $0x1B8E;
	s24 =	sld [smem:$0x3FFE];
	[sflag:s23] =	ssyncadd.s32 $0xFFFFFFFF  }
0xa7: {  	s26 =	simm.s32 $execute0_lowered;
	[smem:$0x3FD2] =	sst s25  }
0xa8: {  	s7 =	sshll.u32 s26, $0x1;
	_ =	strace $0x80000046;
	[dreg:$0x1] =	wrdreg $0xFFFFFFFF  }
0xa9: {  	s28 =	simm.s32 $_size_execute0_lowered;
	s5 =	sadd.s32 s5, s7;
	[dreg:$0x0] =	wrdreg $0x0  }
0xaa: {  	s7 =	sshll.u32 s28, $0x1;
	[dreg:$0x2] =	wrdreg s5  }
0xab: {  	[dreg:$0x3] =	wrdreg s7  }
0xac: {  	[dreg:$0x4] =	wrdreg $0xC0  }
0xad: {  	_ =	task [dreg:s9], $0x5FFFF  }
0xae: {  	[dreg:$0x1] =	wrdreg $0xFFFFFFFF  }
0xaf: {  	[dreg:$0x0] =	wrdreg $0x60  }
0xb0: {  	[dreg:$0x2] =	wrdreg s2  }
0xb1: {  	[dreg:$0x3] =	wrdreg s18  }
0xb2: {  	[dreg:$0x4] =	wrdreg s24  }
0xb3: {  	[dreg:$0x5] =	wrdreg s4  }
0xb4: {  	[dreg:$0x6] =	wrdreg $0x9  }
0xb5: {  	_ =	task.clear_ibuf [dreg:s9], $0x7FFFF;
	_ =	strace $0x90000046  }
0xb6: {  	s29 =	simm.s32 $0x9;
	_ =	strace $0x80000048  }
0xb7: {  	_ =	swait.ge [sflag:s29], $0x1  }
0xb8: {  	[sflag:s29] =	ssyncadd.s32 $0xFFFFFFFF  }
0xb9: {  	_ =	strace $0x90000048  }
0xba: {  	_ =	sfence  }
0xbb: {  	s30 =	sld [smem:$0x0];
	_ =	sdelay $0x2  }
0xbc: {  	s31 =	sshll.u32 s1, $0xD;
	s1 =	sshrl.u32 s1, $0x2  }
0xbd: {  	s3 =	sand.u32 $0x4000, s31;
	s1 =	sadd.s32 s1, s30  }
0xbe: {  	s0 =	sor.u32 s3, s0;
	s1 =	sshll.u32 s1, $0x11  }
0xbf: {  	s0 =	sor.u32 s1, s0  }
0xc0: {  	s0 =	sadd.s32 $0x8F2B, s0  }
0xc1: {  	[sflag:s0] =	ssyncadd.remote.s32 $0x1  }
0xc2: {  	_ =	sfence.sel $0xFFFF  }
0xc3: {  	[dreg:$0x0] =	wrdreg $0xFFFFFFFF;
	(pc) =	sbr.abs _section_cstart, $3  }
0xc4: {  	[dreg:$0x1] =	wrdreg $0xFFFFFFFF  }
0xc5: {  	_ =	task.clear_ibuf [dreg:s9], $0x2FFFF;
	_ =	strace $0x9FFFFFFF  }
0xc6: {  	(tm) =	ssettm $0x7FFFFFFF  }
0xc7: {  	_ =	shalt  }
tec
execute0_lowered:
.L_overlay_start_1:
0x0: {  	(tag) =	ssettag $0x1  }
0x1: {  	s4 =	rddreg [dreg:$0x0]  }
0x2: {  	s5 =	rddreg [dreg:$0x1]  }
0x3: {  	s3 =	rddreg [dreg:$0x2]  }
0x4: {  	s6 =	rddreg [dreg:$0x3]  }
0x5: {  	s0 =	rddreg [dreg:$0x4];
	s7 =	srdreg.scid  }
0x6: {  	s2 =	simm.s32 $0x0;
	s1 =	stileid.u32;
	v0 =	vlaneseq.u32;
	s11 =	simm.s32 $0x80  }
0x7: {  	s7 =	sand.u32 $0x1, s7;
	[smem:$0x7FF] =	sst s2;
	s8 =	sshll.u32 s1, $0x8;
	v0 =	vmul.u32 $0x80, v0  }
0x8: {  	s30 =	sshll.u32 s1, $0x10;
	s9 =	sshll.u32 s7, $0x7;
	s7 =	ssub.s32 $0x2, s7  }
0x9: {  	s3 =	sadd.s32 $0xE00, s3;
	s8 =	sor.u32 s9, s8;
	s10 =	sshrl.u32 s7, $0x1;
	v1 =	vor.u32 $0x800, v0;
	v2 =	vor.u32 $0x1000, v0;
	v3 =	vor.u32 $0x1800, v0  }
0xa: {  	_ =	strace $0x80000047;
	v4 =	vor.u32 $0x2000, v0;
	v5 =	vor.u32 $0x2800, v0;
	v6 =	vor.u32 $0x3000, v0;
	s9 =	sor.u32 s30, s8;
	s7 =	ssub.s32 s7, s10  }
0xb: {  	v7 =	vor.u32 $0x3800, v0;
	v8 =	vor.u32 $0x4000, v0;
	v9 =	vor.u32 $0x4800, v0;
	s4 =	sadd.s32 s4, s8;
	s5 =	sadd.s32 s5, s8;
	s9 =	sand.u32 $0xC0380, s9  }
0xc: {  	v10 =	vor.u32 $0x5000, v0;
	v11 =	vor.u32 $0x5800, v0;
	v12 =	vor.u32 $0x6000, v0;
	s8 =	simm.s32 $0x800;
	s10 =	simm.s32 $0x400;
	s31 =	sshrl.u32 s9, $0x3  }
0xd: {  	v13 =	vor.u32 $0x6800, v0;
	v14 =	vor.u32 $0x7000, v0;
	v15 =	vor.u32 $0x7800, v0;
	s7 =	smax.u32 s7, $0x1;
	s9 =	simm.s32 $0x1;
	s6 =	sadd.s32 s6, s31  }
.LBB2_1:
0xe: {  	[tilespmem:s8], [sflag:$0x1] =	stream.linear.gather [hbm4b:s3+s2], $0x8000, $0x38;
	[tilespmem:$0x8800] =	vst v63  }
0xf: {  	_ =	swait.ge [sflag:s9], $0x8000  }
0x10: {  	[sflag:s9] =	ssyncset.done $0x0  }
0x11: {  	[sflag:s9] =	ssyncadd.s32 $0xFFFF8000  }
0x12: {  	[tilespmem:s2], [sflag:$0x1] =	stream.linear.gather [hbm4b:s4+s2], $0x400, $0x38;
	[tilespmem:$0x8800] =	vst v63  }
0x13: {  	_ =	swait.ge [sflag:s9], $0x400  }
0x14: {  	[sflag:s9] =	ssyncset.done $0x0  }
0x15: {  	[sflag:s9] =	ssyncadd.s32 $0xFFFFFC00  }
0x16: {  	[tilespmem:s10], [sflag:$0x1] =	stream.linear.gather [hbm4b:s5+s2], $0x400, $0x38;
	[tilespmem:$0x8800] =	vst v63  }
0x17: {  	_ =	swait.ge [sflag:s9], $0x400  }
0x18: {  	[sflag:s9] =	ssyncset.done $0x0  }
0x19: {  	[sflag:s9] =	ssyncadd.s32 $0xFFFFFC00  }
0x1a: {  	v16 =	vld [tilespmem:$0x0];
	_ =	sdelay $0x4  }
0x1b: {  	v17 =	vld [tilespmem:$0x400];
	v16 =	vadd.s32 v0, v16;
	_ =	sdelay $0x4  }
0x1c: {  	[tilespmem:v16+s8+$0x0] =	vst.idx.msk $0xffff, v17  }
0x1d: {  	v16 =	vld [tilespmem:$0x10];
	_ =	sdelay $0x4  }
0x1e: {  	v17 =	vld [tilespmem:$0x410];
	v16 =	vadd.s32 v1, v16;
	_ =	sdelay $0x4  }
0x1f: {  	[tilespmem:v16+s8+$0x0] =	vst.idx.msk $0xffff, v17  }
0x20: {  	v16 =	vld [tilespmem:$0x20];
	_ =	sdelay $0x4  }
0x21: {  	v17 =	vld [tilespmem:$0x420];
	v16 =	vadd.s32 v2, v16;
	_ =	sdelay $0x4  }
0x22: {  	[tilespmem:v16+s8+$0x0] =	vst.idx.msk $0xffff, v17  }
0x23: {  	v16 =	vld [tilespmem:$0x30];
	_ =	sdelay $0x4  }
0x24: {  	v17 =	vld [tilespmem:$0x430];
	v16 =	vadd.s32 v3, v16;
	_ =	sdelay $0x4  }
0x25: {  	[tilespmem:v16+s8+$0x0] =	vst.idx.msk $0xffff, v17  }
0x26: {  	v16 =	vld [tilespmem:$0x40];
	_ =	sdelay $0x4  }
0x27: {  	v17 =	vld [tilespmem:$0x440];
	v16 =	vadd.s32 v4, v16;
	_ =	sdelay $0x4  }
0x28: {  	[tilespmem:v16+s8+$0x0] =	vst.idx.msk $0xffff, v17  }
0x29: {  	v16 =	vld [tilespmem:$0x50];
	_ =	sdelay $0x4  }
0x2a: {  	v17 =	vld [tilespmem:$0x450];
	v16 =	vadd.s32 v5, v16;
	_ =	sdelay $0x4  }
0x2b: {  	[tilespmem:v16+s8+$0x0] =	vst.idx.msk $0xffff, v17  }
0x2c: {  	v16 =	vld [tilespmem:$0x60];
	_ =	sdelay $0x4  }
0x2d: {  	v17 =	vld [tilespmem:$0x460];
	v16 =	vadd.s32 v6, v16;
	_ =	sdelay $0x4  }
0x2e: {  	[tilespmem:v16+s8+$0x0] =	vst.idx.msk $0xffff, v17  }
0x2f: {  	v16 =	vld [tilespmem:$0x70];
	_ =	sdelay $0x4  }
0x30: {  	v17 =	vld [tilespmem:$0x470];
	v16 =	vadd.s32 v7, v16;
	_ =	sdelay $0x4  }
0x31: {  	[tilespmem:v16+s8+$0x0] =	vst.idx.msk $0xffff, v17  }
0x32: {  	v16 =	vld [tilespmem:$0x200];
	_ =	sdelay $0x4  }
0x33: {  	v17 =	vld [tilespmem:$0x600];
	v16 =	vadd.s32 v8, v16;
	_ =	sdelay $0x4  }
0x34: {  	[tilespmem:v16+s8+$0x0] =	vst.idx.msk $0xffff, v17  }
0x35: {  	v16 =	vld [tilespmem:$0x210];
	_ =	sdelay $0x4  }
0x36: {  	v17 =	vld [tilespmem:$0x610];
	v16 =	vadd.s32 v9, v16;
	_ =	sdelay $0x4  }
0x37: {  	[tilespmem:v16+s8+$0x0] =	vst.idx.msk $0xffff, v17  }
0x38: {  	v16 =	vld [tilespmem:$0x220];
	_ =	sdelay $0x4  }
0x39: {  	v17 =	vld [tilespmem:$0x620];
	v16 =	vadd.s32 v10, v16;
	_ =	sdelay $0x4  }
0x3a: {  	[tilespmem:v16+s8+$0x0] =	vst.idx.msk $0xffff, v17  }
0x3b: {  	v16 =	vld [tilespmem:$0x230];
	_ =	sdelay $0x4  }
0x3c: {  	v17 =	vld [tilespmem:$0x630];
	v16 =	vadd.s32 v11, v16;
	_ =	sdelay $0x4  }
0x3d: {  	[tilespmem:v16+s8+$0x0] =	vst.idx.msk $0xffff, v17  }
0x3e: {  	v16 =	vld [tilespmem:$0x240];
	_ =	sdelay $0x4  }
0x3f: {  	v17 =	vld [tilespmem:$0x640];
	v16 =	vadd.s32 v12, v16;
	_ =	sdelay $0x4  }
0x40: {  	[tilespmem:v16+s8+$0x0] =	vst.idx.msk $0xffff, v17  }
0x41: {  	v16 =	vld [tilespmem:$0x250];
	_ =	sdelay $0x4  }
0x42: {  	v17 =	vld [tilespmem:$0x650];
	v16 =	vadd.s32 v13, v16;
	_ =	sdelay $0x4  }
0x43: {  	[tilespmem:v16+s8+$0x0] =	vst.idx.msk $0xffff, v17  }
0x44: {  	v16 =	vld [tilespmem:$0x260];
	_ =	sdelay $0x4  }
0x45: {  	v17 =	vld [tilespmem:$0x660];
	v16 =	vadd.s32 v14, v16;
	_ =	sdelay $0x4  }
0x46: {  	[tilespmem:v16+s8+$0x0] =	vst.idx.msk $0xffff, v17  }
0x47: {  	v16 =	vld [tilespmem:$0x270];
	_ =	sdelay $0x4  }
0x48: {  	v17 =	vld [tilespmem:$0x670];
	v16 =	vadd.s32 v15, v16;
	_ =	sdelay $0x4  }
0x49: {  	[tilespmem:v16+s8+$0x0] =	vst.idx.msk $0xffff, v17  }
0x4a: {  	v16 =	vld [tilespmem:$0x80];
	_ =	sdelay $0x4  }
0x4b: {  	v17 =	vld [tilespmem:$0x480];
	v16 =	vadd.s32 v0, v16;
	_ =	sdelay $0x4  }
0x4c: {  	[tilespmem:v16+s8+$0x0] =	vst.idx.msk $0xffff, v17  }
0x4d: {  	v16 =	vld [tilespmem:$0x90];
	_ =	sdelay $0x4  }
0x4e: {  	v17 =	vld [tilespmem:$0x490];
	v16 =	vadd.s32 v1, v16;
	_ =	sdelay $0x4  }
0x4f: {  	[tilespmem:v16+s8+$0x0] =	vst.idx.msk $0xffff, v17  }
0x50: {  	v16 =	vld [tilespmem:$0xA0];
	_ =	sdelay $0x4  }
0x51: {  	v17 =	vld [tilespmem:$0x4A0];
	v16 =	vadd.s32 v2, v16;
	_ =	sdelay $0x4  }
0x52: {  	[tilespmem:v16+s8+$0x0] =	vst.idx.msk $0xffff, v17  }
0x53: {  	v16 =	vld [tilespmem:$0xB0];
	_ =	sdelay $0x4  }
0x54: {  	v17 =	vld [tilespmem:$0x4B0];
	v16 =	vadd.s32 v3, v16;
	_ =	sdelay $0x4  }
0x55: {  	[tilespmem:v16+s8+$0x0] =	vst.idx.msk $0xffff, v17  }
0x56: {  	v16 =	vld [tilespmem:$0xC0];
	_ =	sdelay $0x4  }
0x57: {  	v17 =	vld [tilespmem:$0x4C0];
	v16 =	vadd.s32 v4, v16;
	_ =	sdelay $0x4  }
0x58: {  	[tilespmem:v16+s8+$0x0] =	vst.idx.msk $0xffff, v17  }
0x59: {  	v16 =	vld [tilespmem:$0xD0];
	_ =	sdelay $0x4  }
0x5a: {  	v17 =	vld [tilespmem:$0x4D0];
	v16 =	vadd.s32 v5, v16;
	_ =	sdelay $0x4  }
0x5b: {  	[tilespmem:v16+s8+$0x0] =	vst.idx.msk $0xffff, v17  }
0x5c: {  	v16 =	vld [tilespmem:$0xE0];
	_ =	sdelay $0x4  }
0x5d: {  	v17 =	vld [tilespmem:$0x4E0];
	v16 =	vadd.s32 v6, v16;
	_ =	sdelay $0x4  }
0x5e: {  	[tilespmem:v16+s8+$0x0] =	vst.idx.msk $0xffff, v17  }
0x5f: {  	v16 =	vld [tilespmem:$0xF0];
	_ =	sdelay $0x4  }
0x60: {  	v17 =	vld [tilespmem:$0x4F0];
	v16 =	vadd.s32 v7, v16;
	_ =	sdelay $0x4  }
0x61: {  	[tilespmem:v16+s8+$0x0] =	vst.idx.msk $0xffff, v17  }
0x62: {  	v16 =	vld [tilespmem:$0x280];
	_ =	sdelay $0x4  }
0x63: {  	v17 =	vld [tilespmem:$0x680];
	v16 =	vadd.s32 v8, v16;
	_ =	sdelay $0x4  }
0x64: {  	[tilespmem:v16+s8+$0x0] =	vst.idx.msk $0xffff, v17  }
0x65: {  	v16 =	vld [tilespmem:$0x290];
	_ =	sdelay $0x4  }
0x66: {  	v17 =	vld [tilespmem:$0x690];
	v16 =	vadd.s32 v9, v16;
	_ =	sdelay $0x4  }
0x67: {  	[tilespmem:v16+s8+$0x0] =	vst.idx.msk $0xffff, v17  }
0x68: {  	v16 =	vld [tilespmem:$0x2A0];
	_ =	sdelay $0x4  }
0x69: {  	v17 =	vld [tilespmem:$0x6A0];
	v16 =	vadd.s32 v10, v16;
	_ =	sdelay $0x4  }
0x6a: {  	[tilespmem:v16+s8+$0x0] =	vst.idx.msk $0xffff, v17  }
0x6b: {  	v16 =	vld [tilespmem:$0x2B0];
	_ =	sdelay $0x4  }
0x6c: {  	v17 =	vld [tilespmem:$0x6B0];
	v16 =	vadd.s32 v11, v16;
	_ =	sdelay $0x4  }
0x6d: {  	[tilespmem:v16+s8+$0x0] =	vst.idx.msk $0xffff, v17  }
0x6e: {  	v16 =	vld [tilespmem:$0x2C0];
	_ =	sdelay $0x4  }
0x6f: {  	v17 =	vld [tilespmem:$0x6C0];
	v16 =	vadd.s32 v12, v16;
	_ =	sdelay $0x4  }
0x70: {  	[tilespmem:v16+s8+$0x0] =	vst.idx.msk $0xffff, v17  }
0x71: {  	v16 =	vld [tilespmem:$0x2D0];
	_ =	sdelay $0x4  }
0x72: {  	v17 =	vld [tilespmem:$0x6D0];
	v16 =	vadd.s32 v13, v16;
	_ =	sdelay $0x4  }
0x73: {  	[tilespmem:v16+s8+$0x0] =	vst.idx.msk $0xffff, v17  }
0x74: {  	v16 =	vld [tilespmem:$0x2E0];
	_ =	sdelay $0x4  }
0x75: {  	v17 =	vld [tilespmem:$0x6E0];
	v16 =	vadd.s32 v14, v16;
	_ =	sdelay $0x4  }
0x76: {  	[tilespmem:v16+s8+$0x0] =	vst.idx.msk $0xffff, v17  }
0x77: {  	v16 =	vld [tilespmem:$0x2F0];
	_ =	sdelay $0x4  }
0x78: {  	v17 =	vld [tilespmem:$0x6F0];
	v16 =	vadd.s32 v15, v16;
	_ =	sdelay $0x4  }
0x79: {  	[tilespmem:v16+s8+$0x0] =	vst.idx.msk $0xffff, v17  }
0x7a: {  	v16 =	vld [tilespmem:$0x100];
	_ =	sdelay $0x4  }
0x7b: {  	v17 =	vld [tilespmem:$0x500];
	v16 =	vadd.s32 v0, v16;
	_ =	sdelay $0x4  }
0x7c: {  	[tilespmem:v16+s8+$0x0] =	vst.idx.msk $0xffff, v17  }
0x7d: {  	v16 =	vld [tilespmem:$0x110];
	_ =	sdelay $0x4  }
0x7e: {  	v17 =	vld [tilespmem:$0x510];
	v16 =	vadd.s32 v1, v16;
	_ =	sdelay $0x4  }
0x7f: {  	[tilespmem:v16+s8+$0x0] =	vst.idx.msk $0xffff, v17  }
0x80: {  	v16 =	vld [tilespmem:$0x120];
	_ =	sdelay $0x4  }
0x81: {  	v17 =	vld [tilespmem:$0x520];
	v16 =	vadd.s32 v2, v16;
	_ =	sdelay $0x4  }
0x82: {  	[tilespmem:v16+s8+$0x0] =	vst.idx.msk $0xffff, v17  }
0x83: {  	v16 =	vld [tilespmem:$0x130];
	_ =	sdelay $0x4  }
0x84: {  	v17 =	vld [tilespmem:$0x530];
	v16 =	vadd.s32 v3, v16;
	_ =	sdelay $0x4  }
0x85: {  	[tilespmem:v16+s8+$0x0] =	vst.idx.msk $0xffff, v17  }
0x86: {  	v16 =	vld [tilespmem:$0x140];
	_ =	sdelay $0x4  }
0x87: {  	v17 =	vld [tilespmem:$0x540];
	v16 =	vadd.s32 v4, v16;
	_ =	sdelay $0x4  }
0x88: {  	[tilespmem:v16+s8+$0x0] =	vst.idx.msk $0xffff, v17  }
0x89: {  	v16 =	vld [tilespmem:$0x150];
	_ =	sdelay $0x4  }
0x8a: {  	v17 =	vld [tilespmem:$0x550];
	v16 =	vadd.s32 v5, v16;
	_ =	sdelay $0x4  }
0x8b: {  	[tilespmem:v16+s8+$0x0] =	vst.idx.msk $0xffff, v17  }
0x8c: {  	v16 =	vld [tilespmem:$0x160];
	_ =	sdelay $0x4  }
0x8d: {  	v17 =	vld [tilespmem:$0x560];
	v16 =	vadd.s32 v6, v16;
	_ =	sdelay $0x4  }
0x8e: {  	[tilespmem:v16+s8+$0x0] =	vst.idx.msk $0xffff, v17  }
0x8f: {  	v16 =	vld [tilespmem:$0x170];
	_ =	sdelay $0x4  }
0x90: {  	v17 =	vld [tilespmem:$0x570];
	v16 =	vadd.s32 v7, v16;
	_ =	sdelay $0x4  }
0x91: {  	[tilespmem:v16+s8+$0x0] =	vst.idx.msk $0xffff, v17  }
0x92: {  	v16 =	vld [tilespmem:$0x300];
	_ =	sdelay $0x4  }
0x93: {  	v17 =	vld [tilespmem:$0x700];
	v16 =	vadd.s32 v8, v16;
	_ =	sdelay $0x4  }
0x94: {  	[tilespmem:v16+s8+$0x0] =	vst.idx.msk $0xffff, v17  }
0x95: {  	v16 =	vld [tilespmem:$0x310];
	_ =	sdelay $0x4  }
0x96: {  	v17 =	vld [tilespmem:$0x710];
	v16 =	vadd.s32 v9, v16;
	_ =	sdelay $0x4  }
0x97: {  	[tilespmem:v16+s8+$0x0] =	vst.idx.msk $0xffff, v17  }
0x98: {  	v16 =	vld [tilespmem:$0x320];
	_ =	sdelay $0x4  }
0x99: {  	v17 =	vld [tilespmem:$0x720];
	v16 =	vadd.s32 v10, v16;
	_ =	sdelay $0x4  }
0x9a: {  	[tilespmem:v16+s8+$0x0] =	vst.idx.msk $0xffff, v17  }
0x9b: {  	v16 =	vld [tilespmem:$0x330];
	_ =	sdelay $0x4  }
0x9c: {  	v17 =	vld [tilespmem:$0x730];
	v16 =	vadd.s32 v11, v16;
	_ =	sdelay $0x4  }
0x9d: {  	[tilespmem:v16+s8+$0x0] =	vst.idx.msk $0xffff, v17  }
0x9e: {  	v16 =	vld [tilespmem:$0x340];
	_ =	sdelay $0x4  }
0x9f: {  	v17 =	vld [tilespmem:$0x740];
	v16 =	vadd.s32 v12, v16;
	_ =	sdelay $0x4  }
0xa0: {  	[tilespmem:v16+s8+$0x0] =	vst.idx.msk $0xffff, v17  }
0xa1: {  	v16 =	vld [tilespmem:$0x350];
	_ =	sdelay $0x4  }
0xa2: {  	v17 =	vld [tilespmem:$0x750];
	v16 =	vadd.s32 v13, v16;
	_ =	sdelay $0x4  }
0xa3: {  	[tilespmem:v16+s8+$0x0] =	vst.idx.msk $0xffff, v17  }
0xa4: {  	v16 =	vld [tilespmem:$0x360];
	_ =	sdelay $0x4  }
0xa5: {  	v17 =	vld [tilespmem:$0x760];
	v16 =	vadd.s32 v14, v16;
	_ =	sdelay $0x4  }
0xa6: {  	[tilespmem:v16+s8+$0x0] =	vst.idx.msk $0xffff, v17  }
0xa7: {  	v16 =	vld [tilespmem:$0x370];
	_ =	sdelay $0x4  }
0xa8: {  	v17 =	vld [tilespmem:$0x770];
	v16 =	vadd.s32 v15, v16;
	_ =	sdelay $0x4  }
0xa9: {  	[tilespmem:v16+s8+$0x0] =	vst.idx.msk $0xffff, v17  }
0xaa: {  	v16 =	vld [tilespmem:$0x180];
	_ =	sdelay $0x4  }
0xab: {  	v17 =	vld [tilespmem:$0x580];
	v16 =	vadd.s32 v0, v16;
	_ =	sdelay $0x4  }
0xac: {  	[tilespmem:v16+s8+$0x0] =	vst.idx.msk $0xffff, v17  }
0xad: {  	v16 =	vld [tilespmem:$0x190];
	_ =	sdelay $0x4  }
0xae: {  	v17 =	vld [tilespmem:$0x590];
	v16 =	vadd.s32 v1, v16;
	_ =	sdelay $0x4  }
0xaf: {  	[tilespmem:v16+s8+$0x0] =	vst.idx.msk $0xffff, v17  }
0xb0: {  	v16 =	vld [tilespmem:$0x1A0];
	_ =	sdelay $0x4  }
0xb1: {  	v17 =	vld [tilespmem:$0x5A0];
	v16 =	vadd.s32 v2, v16;
	_ =	sdelay $0x4  }
0xb2: {  	[tilespmem:v16+s8+$0x0] =	vst.idx.msk $0xffff, v17  }
0xb3: {  	v16 =	vld [tilespmem:$0x1B0];
	_ =	sdelay $0x4  }
0xb4: {  	v17 =	vld [tilespmem:$0x5B0];
	v16 =	vadd.s32 v3, v16;
	_ =	sdelay $0x4  }
0xb5: {  	[tilespmem:v16+s8+$0x0] =	vst.idx.msk $0xffff, v17  }
0xb6: {  	v16 =	vld [tilespmem:$0x1C0];
	_ =	sdelay $0x4  }
0xb7: {  	v17 =	vld [tilespmem:$0x5C0];
	v16 =	vadd.s32 v4, v16;
	_ =	sdelay $0x4  }
0xb8: {  	[tilespmem:v16+s8+$0x0] =	vst.idx.msk $0xffff, v17  }
0xb9: {  	v16 =	vld [tilespmem:$0x1D0];
	_ =	sdelay $0x4  }
0xba: {  	v17 =	vld [tilespmem:$0x5D0];
	v16 =	vadd.s32 v5, v16;
	_ =	sdelay $0x4  }
0xbb: {  	[tilespmem:v16+s8+$0x0] =	vst.idx.msk $0xffff, v17  }
0xbc: {  	v16 =	vld [tilespmem:$0x1E0];
	_ =	sdelay $0x4  }
0xbd: {  	v17 =	vld [tilespmem:$0x5E0];
	v16 =	vadd.s32 v6, v16;
	_ =	sdelay $0x4  }
0xbe: {  	[tilespmem:v16+s8+$0x0] =	vst.idx.msk $0xffff, v17  }
0xbf: {  	v16 =	vld [tilespmem:$0x1F0];
	_ =	sdelay $0x4  }
0xc0: {  	v17 =	vld [tilespmem:$0x5F0];
	v16 =	vadd.s32 v7, v16;
	_ =	sdelay $0x4  }
0xc1: {  	[tilespmem:v16+s8+$0x0] =	vst.idx.msk $0xffff, v17  }
0xc2: {  	v16 =	vld [tilespmem:$0x380];
	_ =	sdelay $0x4  }
0xc3: {  	v17 =	vld [tilespmem:$0x780];
	v16 =	vadd.s32 v8, v16;
	_ =	sdelay $0x4  }
0xc4: {  	[tilespmem:v16+s8+$0x0] =	vst.idx.msk $0xffff, v17  }
0xc5: {  	v16 =	vld [tilespmem:$0x390];
	_ =	sdelay $0x4  }
0xc6: {  	v17 =	vld [tilespmem:$0x790];
	v16 =	vadd.s32 v9, v16;
	_ =	sdelay $0x4  }
0xc7: {  	[tilespmem:v16+s8+$0x0] =	vst.idx.msk $0xffff, v17  }
0xc8: {  	v16 =	vld [tilespmem:$0x3A0];
	_ =	sdelay $0x4  }
0xc9: {  	v17 =	vld [tilespmem:$0x7A0];
	v16 =	vadd.s32 v10, v16;
	_ =	sdelay $0x4  }
0xca: {  	[tilespmem:v16+s8+$0x0] =	vst.idx.msk $0xffff, v17  }
0xcb: {  	v16 =	vld [tilespmem:$0x3B0];
	_ =	sdelay $0x4  }
0xcc: {  	v17 =	vld [tilespmem:$0x7B0];
	v16 =	vadd.s32 v11, v16;
	_ =	sdelay $0x4  }
0xcd: {  	[tilespmem:v16+s8+$0x0] =	vst.idx.msk $0xffff, v17  }
0xce: {  	v16 =	vld [tilespmem:$0x3C0];
	_ =	sdelay $0x4  }
0xcf: {  	v17 =	vld [tilespmem:$0x7C0];
	v16 =	vadd.s32 v12, v16;
	_ =	sdelay $0x4  }
0xd0: {  	[tilespmem:v16+s8+$0x0] =	vst.idx.msk $0xffff, v17  }
0xd1: {  	v16 =	vld [tilespmem:$0x3D0];
	_ =	sdelay $0x4  }
0xd2: {  	v17 =	vld [tilespmem:$0x7D0];
	v16 =	vadd.s32 v13, v16;
	_ =	sdelay $0x4  }
0xd3: {  	[tilespmem:v16+s8+$0x0] =	vst.idx.msk $0xffff, v17  }
0xd4: {  	v16 =	vld [tilespmem:$0x3E0];
	_ =	sdelay $0x4  }
0xd5: {  	v17 =	vld [tilespmem:$0x7E0];
	v16 =	vadd.s32 v14, v16;
	_ =	sdelay $0x4  }
0xd6: {  	[tilespmem:v16+s8+$0x0] =	vst.idx.msk $0xffff, v17  }
0xd7: {  	v16 =	vld [tilespmem:$0x3F0];
	_ =	sdelay $0x4  }
0xd8: {  	v17 =	vld [tilespmem:$0x7F0];
	v16 =	vadd.s32 v15, v16;
	_ =	sdelay $0x3  }
0xd9: {  	p0 =	sne.s32 s7, $0x1  }
.Ltmp0:
0xda: {  	[tilespmem:v16+s8+$0x0] =	vst.idx.msk $0xffff, v17;
	(pc) =	sbr.rel @p0 .LBB2_1-.Ltmp0, $4  }
0xdb: {  	[hbm4b:s6+s11] =	stream.strided.scatter [tilespmem:s8], [sflag:$0x1], $0x8000, s10, s11, $0x38;
	[tilespmem:$0x8800] =	vst v63  }
0xdc: {  	_ =	swait.ge [sflag:s9], $0x8000  }
0xdd: {  	[sflag:s9] =	ssyncset.done $0x0  }
0xde: {  	s7 =	sadd.s32 $0xFFFFFFFF, s7;
	[sflag:s9] =	ssyncadd.s32 $0xFFFF8000  }
0xdf: {  	_ =	sfence.sel $0x180000  }
0xe0: {  	[bflag:$0x0] =	sbarrier.arrive $0xFFFF  }
0xe1: {  	p0 =	sne.s32 s1, $0x0;
	_ =	strace $0x90000047  }
0xe2: {  	s0 =	sadd.s32 @!p0 $0x100000, s0;
	[bflag:$0x2] =	sbarrier.arrive $0xFFFF  }
0xe3: {  	[sflag:s0] =	ssyncadd.tile.s32 @!p0 $0x1;
	_ =	shalt  }
.Lfunc_end2:
_tile_overlayer_lowered:
.L_overlay_start_2:
0xe4: {  	(tag) =	ssettag $0x2  }
0xe5: {  	s0 =	rddreg [dreg:$0x0];
	s2 =	stileid.u32  }
0xe6: {  	s1 =	rddreg [dreg:$0x1];
	p0 =	sne.s32 s2, $0x0  }
0xe7: {  	s3 =	rddreg [dreg:$0x2];
	[bflag:$0x3] =	sbarrier.arrive $0xFFFF;
	s2 =	simm.s32 @!p0 $0x1C01  }
0xe8: {  	[timem:s3], [sflag:s2] =	dma.local @!p0 [hbm:s0], s1  }
0xe9: {  	s0 =	simm.s32 @!p0 $0x1  }
0xea: {  	_ =	swait.ge @!p0 [sflag:s0], s1  }
0xeb: {  	s1 =	ssub.s32 @!p0 $0x0, s1;
	[sflag:s0] =	ssyncset.done @!p0 $0x0  }
0xec: {  	[sflag:s0] =	ssyncadd.s32 @!p0 s1  }
0xed: {  	[bflag:$0x3] =	sbarrier.arrive $0xFFFF  }
0xee: {  	_ =	shalt  }

</sc_bundles>
